<compile_context>
chip_gen: v7x
topology: tpu7x:2x2x1
jax: 0.10.2.dev20260603
libtpu: 0.0.44.dev20260713+nightly
codegen_flags: <defaults>
</compile_context>

<pallas_src>
import functools

import jax
import jax.numpy as jnp
from jax import lax
from jax.experimental import pallas as pl
from jax.experimental.pallas import tpu as pltpu
from jax.experimental.pallas import tpu_sc as plsc

H = 768
EPS = 1e-12

NC = 2
NS = 16
NW = NC * NS

TC_BLK = 2048

SC_CHUNK = 32
SC_NBUF = 4


def _sc_gather(word_table, input_ids):
    nb, s = input_ids.shape
    n_tok = nb * s
    b_per_w = n_tok // NW
    w_per_row = s // b_per_w
    nchunk = b_per_w // SC_CHUNK
    mesh = plsc.VectorSubcoreMesh(core_axis_name="c", subcore_axis_name="s")

    @functools.partial(
        pl.kernel,
        mesh=mesh,
        out_type=jax.ShapeDtypeStruct((nb, s, H), jnp.float32),
        scratch_types=[
            pltpu.VMEM((b_per_w,), jnp.int32),
            pltpu.VMEM((SC_NBUF, SC_CHUNK, H), jnp.float32),
            pltpu.SemaphoreType.DMA,
            pltpu.SemaphoreType.DMA,
        ],
    )
    def gather_kernel(table_hbm, idx_hbm, out_hbm, idx_v, rows_v, sem_in, sem_out):
        wid = lax.axis_index("s") * NC + lax.axis_index("c")
        row = wid // w_per_row
        col = (wid % w_per_row) * b_per_w
        pltpu.sync_copy(idx_hbm.at[row, pl.ds(col, b_per_w)], idx_v)

        def g(c):
            return pltpu.make_async_copy(
                table_hbm.at[idx_v.at[pl.ds(c * SC_CHUNK, SC_CHUNK)]],
                rows_v.at[c % SC_NBUF],
                sem_in,
            )

        def p(c):
            return pltpu.make_async_copy(
                rows_v.at[c % SC_NBUF],
                out_hbm.at[row, pl.ds(col + c * SC_CHUNK, SC_CHUNK)],
                sem_out,
            )

        g(0).start()
        g(1).start()
        for c in range(nchunk):
            g(c).wait()
            nxt = c + 2
            if nxt < nchunk:
                if nxt - SC_NBUF >= 0:
                    p(nxt - SC_NBUF).wait()
                g(nxt).start()
            p(c).start()
        for c in range(max(0, nchunk - SC_NBUF), nchunk):
            p(c).wait()

    return gather_kernel(word_table, input_ids)


def _tc_body(words_ref, pos_ref, ttf_ref, type_ref, gamma_ref, beta_ref, out_ref):
    j = pl.program_id(1)
    t0 = type_ref[0:1, :]
    t1 = type_ref[1:2, :]
    nb = ttf_ref.shape[0]
    onehot = (lax.broadcasted_iota(jnp.int32, (nb, 1), 0) == j).astype(jnp.float32)
    tt = lax.dot_general(ttf_ref[...], onehot, (((0,), (0,)), ((), ())))
    x = words_ref[0] + pos_ref[...] + t0 + tt * (t1 - t0)
    u = jnp.mean(x, axis=1, keepdims=True)
    xc = x - u
    s = jnp.mean(xc * xc, axis=1, keepdims=True)
    y = xc * lax.rsqrt(s + EPS)
    out_ref[0] = (gamma_ref[...] * y + beta_ref[...]).reshape(y.shape)


def kernel(input_ids, token_type_ids, word_table, pos_table, type_table, gamma, beta):
    b, s = input_ids.shape

    words = _sc_gather(word_table, input_ids.astype(jnp.int32))

    ttf = token_type_ids.astype(jnp.float32)
    pos_blocks = s // TC_BLK

    out = pl.pallas_call(
        _tc_body,
        grid=(pos_blocks, b),
        in_specs=[
            pl.BlockSpec((1, TC_BLK, H), lambda p, j: (j, p, 0)),
            pl.BlockSpec((TC_BLK, H), lambda p, j: (p, 0)),
            pl.BlockSpec((b, TC_BLK), lambda p, j: (0, p)),
            pl.BlockSpec((2, H), lambda p, j: (0, 0)),
            pl.BlockSpec((H,), lambda p, j: (0,)),
            pl.BlockSpec((H,), lambda p, j: (0,)),
        ],
        out_specs=pl.BlockSpec((1, TC_BLK, H), lambda p, j: (j, p, 0)),
        out_shape=jax.ShapeDtypeStruct((b, s, H), jnp.float32),
        compiler_params=pltpu.CompilerParams(
            dimension_semantics=("parallel", "parallel"),
        ),
    )(
        words,
        pos_table,
        ttf,
        type_table,
        gamma,
        beta,
    )

    return (out, words)

# --- scband reference (transcript-rebuilt; emitter-appended) ---
"""Pipeline reference for scband-bertembeddings-49211735278150 (READ-ONLY COPY).

The authoritative reference and input builder live on the scoring server;
editing this copy changes nothing except your own understanding.
"""

import jax, jax.numpy as jnp
import numpy as np

VOCAB = 100000
MAXPOS = 2048
TYPES = 2
H = 768
B = 4
S = 2048
EPS = 1e-12


def setup_inputs(seed: int = 0) -> dict:
    key = jax.random.key(seed)
    ks = jax.random.split(key, 6)
    input_ids = jax.random.randint(ks[0], (B, S), 0, VOCAB, dtype=jnp.int64 if jax.config.jax_enable_x64 else jnp.int32)
    token_type_ids = jax.random.randint(ks[1], (B, S), 0, TYPES, dtype=jnp.int64 if jax.config.jax_enable_x64 else jnp.int32)
    word_table = jax.random.normal(ks[2], (VOCAB, H), dtype=jnp.float32) * 0.02
    pos_table = jax.random.normal(ks[3], (MAXPOS, H), dtype=jnp.float32) * 0.02
    type_table = jax.random.normal(ks[4], (TYPES, H), dtype=jnp.float32) * 0.02
    gamma = jnp.ones((H,), dtype=jnp.float32)
    beta = jnp.zeros((H,), dtype=jnp.float32)
    return {
        "input_ids": input_ids,
        "token_type_ids": token_type_ids,
        "word_table": word_table,
        "pos_table": pos_table,
        "type_table": type_table,
        "gamma": gamma,
        "beta": beta,
    }


def reference(input_ids, token_type_ids, word_table, pos_table, type_table, gamma, beta):
    # BERTEmbeddings forward (roberta_style=False, set_mask_zero=False,
    # emb_size<0 so proj is None, dropout prob 0 -> identity)
    seq_length = input_ids.shape[1]
    position_ids = jnp.broadcast_to(jnp.arange(seq_length, dtype=input_ids.dtype)[None, :], input_ids.shape)
    words_embeddings = jnp.take(word_table, input_ids, axis=0)
    position_embeddings = jnp.take(pos_table, position_ids, axis=0)
    token_type_embeddings = jnp.take(type_table, token_type_ids, axis=0)
    embeddings = words_embeddings + position_embeddings + token_type_embeddings
    # BERTLayerNorm (TF-style, eps inside sqrt)
    u = embeddings.mean(-1, keepdims=True)
    s = ((embeddings - u) ** 2).mean(-1, keepdims=True)
    x = (embeddings - u) / jnp.sqrt(s + EPS)
    out = gamma * x + beta
    return (out, words_embeddings)

if __name__ == "__main__":
    import jax
    _d = setup_inputs()
    print(jax.jit(kernel)(*tuple(_d.values())))

</pallas_src>

<mosaic_0001>
#map = affine_map<(d0, d1) -> (0, 0)>
#map1 = affine_map<(d0, d1) -> (0, 0, 0)>
module attributes {stable_mosaic.version = 14 : i64} {
  func.func @gather_kernel(%arg0: i32, %arg1: i32, %arg2: memref<100000x768xf32, #tpu.memory_space<hbm>>, %arg3: memref<4x2048xi32, #tpu.memory_space<hbm>>, %arg4: memref<4x2048x768xf32, #tpu.memory_space<hbm>>, %arg5: memref<256xi32, #tpu.memory_space<vmem>>, %arg6: memref<4x32x768xf32, #tpu.memory_space<vmem>>, %arg7: memref<!tpu.dma_semaphore, #tpu.memory_space<semaphore_mem>>, %arg8: memref<!tpu.dma_semaphore, #tpu.memory_space<semaphore_mem>>) attributes {dimension_semantics = [#tpu.dimension_semantics<core_parallel>, #tpu.dimension_semantics<subcore_parallel>], iteration_bounds = array<i64: 2, 16>, scalar_prefetch = 0 : i64, scratch_operands = 4 : i64, tpu.core_type = #tpu.core_type<sc_vector_subcore>, window_params = [{transform_indices = #map}, {transform_indices = #map}, {transform_indices = #map1}]} {
    %mul3A = arith.constant 2 : i32
    %mul3A_0 = arith.muli %arg1, %mul3A : i32
    %add3A = arith.addi %mul3A_0, %arg0 : i32
    %jit3A = arith.constant 8 : i32
    %div3A = arith.divsi %add3A, %jit3A : i32
    %sign3A = arith.constant 0 : i32
    %sign3A_1 = arith.cmpi sgt, %add3A, %sign3A : i32
    %sign3A_2 = arith.extui %sign3A_1 : i1 to i32
    %sign3A_3 = arith.constant 0 : i32
    %sign3A_4 = arith.cmpi slt, %add3A, %sign3A_3 : i32
    %sign3A_5 = arith.extui %sign3A_4 : i1 to i32
    %sign3A_6 = arith.subi %sign3A_2, %sign3A_5 : i32
    %sign3A_7 = arith.constant 0 : i32
    %sign3A_8 = arith.cmpi sgt, %jit3A, %sign3A_7 : i32
    %sign3A_9 = arith.extui %sign3A_8 : i1 to i32
    %sign3A_10 = arith.constant 0 : i32
    %sign3A_11 = arith.cmpi slt, %jit3A, %sign3A_10 : i32
    %sign3A_12 = arith.extui %sign3A_11 : i1 to i32
    %sign3A_13 = arith.subi %sign3A_9, %sign3A_12 : i32
    %ne3A = arith.cmpi ne, %sign3A_6, %sign3A_13 : i32
    %rem3A = arith.remsi %add3A, %jit3A : i32
    %ne3A_14 = arith.constant 0 : i32
    %ne3A_15 = arith.cmpi ne, %rem3A, %ne3A_14 : i32
    %and3A = arith.andi %ne3A, %ne3A_15 : i1
    %sub3A = arith.constant 1 : i32
    %sub3A_16 = arith.subi %div3A, %sub3A : i32
    %select_n3A = arith.select %and3A, %sub3A_16, %div3A : i32
    %jit3A_17 = arith.constant 8 : i32
    %eq3A = arith.constant 0 : i32
    %eq3A_18 = arith.cmpi eq, %jit3A_17, %eq3A : i32
    %jit3A_19 = arith.constant 1 : i32
    %select_n3A_20 = arith.select %eq3A_18, %jit3A_19, %jit3A_17 : i32
    %rem3A_21 = arith.remsi %add3A, %select_n3A_20 : i32
    %ne3A_22 = arith.constant 0 : i32
    %ne3A_23 = arith.cmpi ne, %rem3A_21, %ne3A_22 : i32
    %lt3A = arith.constant 0 : i32
    %lt3A_24 = arith.cmpi slt, %rem3A_21, %lt3A : i32
    %lt3A_25 = arith.constant 0 : i32
    %lt3A_26 = arith.cmpi slt, %select_n3A_20, %lt3A_25 : i32
    %ne3A_27 = arith.xori %lt3A_24, %lt3A_26 : i1
    %and3A_28 = arith.andi %ne3A_27, %ne3A_23 : i1
    %add3A_29 = arith.addi %rem3A_21, %select_n3A_20 : i32
    %select_n3A_30 = arith.select %and3A_28, %add3A_29, %rem3A_21 : i32
    %mul3A_31 = arith.constant 256 : i32
    %mul3A_32 = arith.muli %select_n3A_30, %mul3A_31 : i32
    "tpu.region"() ({
      %run_scoped3A = tpu.sem_alloc : memref<!tpu.dma_semaphore, #tpu.memory_space<semaphore_mem>>
      %dma_start3A_463 = tpu.memref_slice %arg3[%select_n3A, %mul3A_32] : memref<4x2048xi32, #tpu.memory_space<hbm>> -> memref<1x256xi32, #tpu.memory_space<hbm>>
      %dma_start3A_464 = tpu.memref_squeeze %dma_start3A_463 : memref<1x256xi32, #tpu.memory_space<hbm>> -> memref<256xi32, #tpu.memory_space<hbm>>
      %dma_start3A_465 = tpu.memref_slice %arg3[%select_n3A, %mul3A_32] : memref<4x2048xi32, #tpu.memory_space<hbm>> -> memref<1x256xi32, #tpu.memory_space<hbm>>
      %dma_start3A_466 = tpu.memref_squeeze %dma_start3A_465 : memref<1x256xi32, #tpu.memory_space<hbm>> -> memref<256xi32, #tpu.memory_space<hbm>>
      tpu.enqueue_dma source(%dma_start3A_466 : memref<256xi32, #tpu.memory_space<hbm>>) target(%arg5 : memref<256xi32, #tpu.memory_space<vmem>>) target_semaphore(%run_scoped3A : memref<!tpu.dma_semaphore, #tpu.memory_space<semaphore_mem>>)
      %dma_wait3A_467 = tpu.memref_slice %arg3[%select_n3A, %mul3A_32] : memref<4x2048xi32, #tpu.memory_space<hbm>> -> memref<1x256xi32, #tpu.memory_space<hbm>>
      %dma_wait3A_468 = tpu.memref_squeeze %dma_wait3A_467 : memref<1x256xi32, #tpu.memory_space<hbm>> -> memref<256xi32, #tpu.memory_space<hbm>>
      %dma_wait3A_469 = tpu.memref_slice %arg3[%select_n3A, %mul3A_32] : memref<4x2048xi32, #tpu.memory_space<hbm>> -> memref<1x256xi32, #tpu.memory_space<hbm>>
      %dma_wait3A_470 = tpu.memref_squeeze %dma_wait3A_469 : memref<1x256xi32, #tpu.memory_space<hbm>> -> memref<256xi32, #tpu.memory_space<hbm>>
      tpu.wait_dma2 semaphore(%run_scoped3A : memref<!tpu.dma_semaphore, #tpu.memory_space<semaphore_mem>>) src(%dma_wait3A_470 : memref<256xi32, #tpu.memory_space<hbm>>) dst(%arg5 : memref<256xi32, #tpu.memory_space<vmem>>)
      tpu.yield
    }) : () -> ()
    %dma_start3A = arith.constant 0 : i32
    %dma_start3A_33 = arith.constant 0 : i32
    %dma_start3A_34 = arith.constant 0 : i32
    %dma_start3A_35 = tpu.memref_slice %arg6[%dma_start3A, %dma_start3A_33, %dma_start3A_34] : memref<4x32x768xf32, #tpu.memory_space<vmem>> -> memref<1x32x768xf32, #tpu.memory_space<vmem>>
    %dma_start3A_36 = tpu.memref_squeeze %dma_start3A_35 : memref<1x32x768xf32, #tpu.memory_space<vmem>> -> memref<32x768xf32, #tpu.memory_space<vmem>>
    %dma_start3A_37 = arith.constant 0 : i32
    %dma_start3A_38 = tpu.memref_slice %arg5[%dma_start3A_37] : memref<256xi32, #tpu.memory_space<vmem>> -> memref<32xi32, #tpu.memory_space<vmem>>
    %dma_start3A_39 = arith.constant 0 : i32
    %dma_start3A_40 = arith.constant 0 : i32
    %dma_start3A_41 = tpu.memref_slice %arg2[%dma_start3A_39, %dma_start3A_40] : memref<100000x768xf32, #tpu.memory_space<hbm>> -> memref<100000x768xf32, #tpu.memory_space<hbm>>
    tpu.enqueue_indirect_dma source(%dma_start3A_41 : memref<100000x768xf32, #tpu.memory_space<hbm>>) target(%dma_start3A_36 : memref<32x768xf32, #tpu.memory_space<vmem>>) offsets(%dma_start3A_38 : memref<32xi32, #tpu.memory_space<vmem>>) semaphore(%arg7 : memref<!tpu.dma_semaphore, #tpu.memory_space<semaphore_mem>>)
    %dma_start3A_42 = arith.constant 1 : i32
    %dma_start3A_43 = arith.constant 0 : i32
    %dma_start3A_44 = arith.constant 0 : i32
    %dma_start3A_45 = tpu.memref_slice %arg6[%dma_start3A_42, %dma_start3A_43, %dma_start3A_44] : memref<4x32x768xf32, #tpu.memory_space<vmem>> -> memref<1x32x768xf32, #tpu.memory_space<vmem>>
    %dma_start3A_46 = tpu.memref_squeeze %dma_start3A_45 : memref<1x32x768xf32, #tpu.memory_space<vmem>> -> memref<32x768xf32, #tpu.memory_space<vmem>>
    %dma_start3A_47 = arith.constant 32 : i32
    %dma_start3A_48 = tpu.memref_slice %arg5[%dma_start3A_47] : memref<256xi32, #tpu.memory_space<vmem>> -> memref<32xi32, #tpu.memory_space<vmem>>
    %dma_start3A_49 = arith.constant 0 : i32
    %dma_start3A_50 = arith.constant 0 : i32
    %dma_start3A_51 = tpu.memref_slice %arg2[%dma_start3A_49, %dma_start3A_50] : memref<100000x768xf32, #tpu.memory_space<hbm>> -> memref<100000x768xf32, #tpu.memory_space<hbm>>
    tpu.enqueue_indirect_dma source(%dma_start3A_51 : memref<100000x768xf32, #tpu.memory_space<hbm>>) target(%dma_start3A_46 : memref<32x768xf32, #tpu.memory_space<vmem>>) offsets(%dma_start3A_48 : memref<32xi32, #tpu.memory_space<vmem>>) semaphore(%arg7 : memref<!tpu.dma_semaphore, #tpu.memory_space<semaphore_mem>>)
    %dma_wait3A = arith.constant 0 : i32
    %dma_wait3A_52 = arith.constant 0 : i32
    %dma_wait3A_53 = arith.constant 0 : i32
    %dma_wait3A_54 = tpu.memref_slice %arg6[%dma_wait3A, %dma_wait3A_52, %dma_wait3A_53] : memref<4x32x768xf32, #tpu.memory_space<vmem>> -> memref<1x32x768xf32, #tpu.memory_space<vmem>>
    %dma_wait3A_55 = tpu.memref_squeeze %dma_wait3A_54 : memref<1x32x768xf32, #tpu.memory_space<vmem>> -> memref<32x768xf32, #tpu.memory_space<vmem>>
    %dma_wait3A_56 = arith.constant 0 : i32
    %dma_wait3A_57 = tpu.memref_slice %arg5[%dma_wait3A_56] : memref<256xi32, #tpu.memory_space<vmem>> -> memref<32xi32, #tpu.memory_space<vmem>>
    %dma_wait3A_58 = arith.constant 0 : i32
    %dma_wait3A_59 = arith.constant 0 : i32
    %dma_wait3A_60 = tpu.memref_slice %arg2[%dma_wait3A_58, %dma_wait3A_59] : memref<100000x768xf32, #tpu.memory_space<hbm>> -> memref<100000x768xf32, #tpu.memory_space<hbm>>
    tpu.wait_indirect_dma semaphore(%arg7 : memref<!tpu.dma_semaphore, #tpu.memory_space<semaphore_mem>>) src(%dma_wait3A_60 : memref<100000x768xf32, #tpu.memory_space<hbm>>) dst(%dma_wait3A_55 : memref<32x768xf32, #tpu.memory_space<vmem>>)
    %dma_start3A_61 = arith.constant 2 : i32
    %dma_start3A_62 = arith.constant 0 : i32
    %dma_start3A_63 = arith.constant 0 : i32
    %dma_start3A_64 = tpu.memref_slice %arg6[%dma_start3A_61, %dma_start3A_62, %dma_start3A_63] : memref<4x32x768xf32, #tpu.memory_space<vmem>> -> memref<1x32x768xf32, #tpu.memory_space<vmem>>
    %dma_start3A_65 = tpu.memref_squeeze %dma_start3A_64 : memref<1x32x768xf32, #tpu.memory_space<vmem>> -> memref<32x768xf32, #tpu.memory_space<vmem>>
    %dma_start3A_66 = arith.constant 64 : i32
    %dma_start3A_67 = tpu.memref_slice %arg5[%dma_start3A_66] : memref<256xi32, #tpu.memory_space<vmem>> -> memref<32xi32, #tpu.memory_space<vmem>>
    %dma_start3A_68 = arith.constant 0 : i32
    %dma_start3A_69 = arith.constant 0 : i32
    %dma_start3A_70 = tpu.memref_slice %arg2[%dma_start3A_68, %dma_start3A_69] : memref<100000x768xf32, #tpu.memory_space<hbm>> -> memref<100000x768xf32, #tpu.memory_space<hbm>>
    tpu.enqueue_indirect_dma source(%dma_start3A_70 : memref<100000x768xf32, #tpu.memory_space<hbm>>) target(%dma_start3A_65 : memref<32x768xf32, #tpu.memory_space<vmem>>) offsets(%dma_start3A_67 : memref<32xi32, #tpu.memory_space<vmem>>) semaphore(%arg7 : memref<!tpu.dma_semaphore, #tpu.memory_space<semaphore_mem>>)
    %add3A_71 = arith.constant 0 : i32
    %add3A_72 = arith.addi %mul3A_32, %add3A_71 : i32
    %dma_start3A_73 = arith.constant 0 : i32
    %dma_start3A_74 = arith.constant 0 : i32
    %dma_start3A_75 = arith.constant 0 : i32
    %dma_start3A_76 = tpu.memref_slice %arg6[%dma_start3A_73, %dma_start3A_74, %dma_start3A_75] : memref<4x32x768xf32, #tpu.memory_space<vmem>> -> memref<1x32x768xf32, #tpu.memory_space<vmem>>
    %dma_start3A_77 = tpu.memref_squeeze %dma_start3A_76 : memref<1x32x768xf32, #tpu.memory_space<vmem>> -> memref<32x768xf32, #tpu.memory_space<vmem>>
    %dma_start3A_78 = arith.constant 0 : i32
    %dma_start3A_79 = tpu.memref_slice %arg4[%select_n3A, %add3A_72, %dma_start3A_78] : memref<4x2048x768xf32, #tpu.memory_space<hbm>> -> memref<1x32x768xf32, #tpu.memory_space<hbm>>
    %dma_start3A_80 = tpu.memref_squeeze %dma_start3A_79 : memref<1x32x768xf32, #tpu.memory_space<hbm>> -> memref<32x768xf32, #tpu.memory_space<hbm>>
    %dma_start3A_81 = arith.constant 0 : i32
    %dma_start3A_82 = tpu.memref_slice %arg4[%select_n3A, %add3A_72, %dma_start3A_81] : memref<4x2048x768xf32, #tpu.memory_space<hbm>> -> memref<1x32x768xf32, #tpu.memory_space<hbm>>
    %dma_start3A_83 = tpu.memref_squeeze %dma_start3A_82 : memref<1x32x768xf32, #tpu.memory_space<hbm>> -> memref<32x768xf32, #tpu.memory_space<hbm>>
    %dma_start3A_84 = arith.constant 0 : i32
    %dma_start3A_85 = arith.constant 0 : i32
    %dma_start3A_86 = tpu.memref_slice %arg6[%dma_start3A_73, %dma_start3A_84, %dma_start3A_85] : memref<4x32x768xf32, #tpu.memory_space<vmem>> -> memref<1x32x768xf32, #tpu.memory_space<vmem>>
    %dma_start3A_87 = tpu.memref_squeeze %dma_start3A_86 : memref<1x32x768xf32, #tpu.memory_space<vmem>> -> memref<32x768xf32, #tpu.memory_space<vmem>>
    tpu.enqueue_dma source(%dma_start3A_87 : memref<32x768xf32, #tpu.memory_space<vmem>>) target(%dma_start3A_83 : memref<32x768xf32, #tpu.memory_space<hbm>>) target_semaphore(%arg8 : memref<!tpu.dma_semaphore, #tpu.memory_space<semaphore_mem>>)
    %dma_wait3A_88 = arith.constant 1 : i32
    %dma_wait3A_89 = arith.constant 0 : i32
    %dma_wait3A_90 = arith.constant 0 : i32
    %dma_wait3A_91 = tpu.memref_slice %arg6[%dma_wait3A_88, %dma_wait3A_89, %dma_wait3A_90] : memref<4x32x768xf32, #tpu.memory_space<vmem>> -> memref<1x32x768xf32, #tpu.memory_space<vmem>>
    %dma_wait3A_92 = tpu.memref_squeeze %dma_wait3A_91 : memref<1x32x768xf32, #tpu.memory_space<vmem>> -> memref<32x768xf32, #tpu.memory_space<vmem>>
    %dma_wait3A_93 = arith.constant 32 : i32
    %dma_wait3A_94 = tpu.memref_slice %arg5[%dma_wait3A_93] : memref<256xi32, #tpu.memory_space<vmem>> -> memref<32xi32, #tpu.memory_space<vmem>>
    %dma_wait3A_95 = arith.constant 0 : i32
    %dma_wait3A_96 = arith.constant 0 : i32
    %dma_wait3A_97 = tpu.memref_slice %arg2[%dma_wait3A_95, %dma_wait3A_96] : memref<100000x768xf32, #tpu.memory_space<hbm>> -> memref<100000x768xf32, #tpu.memory_space<hbm>>
    tpu.wait_indirect_dma semaphore(%arg7 : memref<!tpu.dma_semaphore, #tpu.memory_space<semaphore_mem>>) src(%dma_wait3A_97 : memref<100000x768xf32, #tpu.memory_space<hbm>>) dst(%dma_wait3A_92 : memref<32x768xf32, #tpu.memory_space<vmem>>)
    %dma_start3A_98 = arith.constant 3 : i32
    %dma_start3A_99 = arith.constant 0 : i32
    %dma_start3A_100 = arith.constant 0 : i32
    %dma_start3A_101 = tpu.memref_slice %arg6[%dma_start3A_98, %dma_start3A_99, %dma_start3A_100] : memref<4x32x768xf32, #tpu.memory_space<vmem>> -> memref<1x32x768xf32, #tpu.memory_space<vmem>>
    %dma_start3A_102 = tpu.memref_squeeze %dma_start3A_101 : memref<1x32x768xf32, #tpu.memory_space<vmem>> -> memref<32x768xf32, #tpu.memory_space<vmem>>
    %dma_start3A_103 = arith.constant 96 : i32
    %dma_start3A_104 = tpu.memref_slice %arg5[%dma_start3A_103] : memref<256xi32, #tpu.memory_space<vmem>> -> memref<32xi32, #tpu.memory_space<vmem>>
    %dma_start3A_105 = arith.constant 0 : i32
    %dma_start3A_106 = arith.constant 0 : i32
    %dma_start3A_107 = tpu.memref_slice %arg2[%dma_start3A_105, %dma_start3A_106] : memref<100000x768xf32, #tpu.memory_space<hbm>> -> memref<100000x768xf32, #tpu.memory_space<hbm>>
    tpu.enqueue_indirect_dma source(%dma_start3A_107 : memref<100000x768xf32, #tpu.memory_space<hbm>>) target(%dma_start3A_102 : memref<32x768xf32, #tpu.memory_space<vmem>>) offsets(%dma_start3A_104 : memref<32xi32, #tpu.memory_space<vmem>>) semaphore(%arg7 : memref<!tpu.dma_semaphore, #tpu.memory_space<semaphore_mem>>)
    %add3A_108 = arith.constant 32 : i32
    %add3A_109 = arith.addi %mul3A_32, %add3A_108 : i32
    %dma_start3A_110 = arith.constant 1 : i32
    %dma_start3A_111 = arith.constant 0 : i32
    %dma_start3A_112 = arith.constant 0 : i32
    %dma_start3A_113 = tpu.memref_slice %arg6[%dma_start3A_110, %dma_start3A_111, %dma_start3A_112] : memref<4x32x768xf32, #tpu.memory_space<vmem>> -> memref<1x32x768xf32, #tpu.memory_space<vmem>>
    %dma_start3A_114 = tpu.memref_squeeze %dma_start3A_113 : memref<1x32x768xf32, #tpu.memory_space<vmem>> -> memref<32x768xf32, #tpu.memory_space<vmem>>
    %dma_start3A_115 = arith.constant 0 : i32
    %dma_start3A_116 = tpu.memref_slice %arg4[%select_n3A, %add3A_109, %dma_start3A_115] : memref<4x2048x768xf32, #tpu.memory_space<hbm>> -> memref<1x32x768xf32, #tpu.memory_space<hbm>>
    %dma_start3A_117 = tpu.memref_squeeze %dma_start3A_116 : memref<1x32x768xf32, #tpu.memory_space<hbm>> -> memref<32x768xf32, #tpu.memory_space<hbm>>
    %dma_start3A_118 = arith.constant 0 : i32
    %dma_start3A_119 = tpu.memref_slice %arg4[%select_n3A, %add3A_109, %dma_start3A_118] : memref<4x2048x768xf32, #tpu.memory_space<hbm>> -> memref<1x32x768xf32, #tpu.memory_space<hbm>>
    %dma_start3A_120 = tpu.memref_squeeze %dma_start3A_119 : memref<1x32x768xf32, #tpu.memory_space<hbm>> -> memref<32x768xf32, #tpu.memory_space<hbm>>
    %dma_start3A_121 = arith.constant 0 : i32
    %dma_start3A_122 = arith.constant 0 : i32
    %dma_start3A_123 = tpu.memref_slice %arg6[%dma_start3A_110, %dma_start3A_121, %dma_start3A_122] : memref<4x32x768xf32, #tpu.memory_space<vmem>> -> memref<1x32x768xf32, #tpu.memory_space<vmem>>
    %dma_start3A_124 = tpu.memref_squeeze %dma_start3A_123 : memref<1x32x768xf32, #tpu.memory_space<vmem>> -> memref<32x768xf32, #tpu.memory_space<vmem>>
    tpu.enqueue_dma source(%dma_start3A_124 : memref<32x768xf32, #tpu.memory_space<vmem>>) target(%dma_start3A_120 : memref<32x768xf32, #tpu.memory_space<hbm>>) target_semaphore(%arg8 : memref<!tpu.dma_semaphore, #tpu.memory_space<semaphore_mem>>)
    %dma_wait3A_125 = arith.constant 2 : i32
    %dma_wait3A_126 = arith.constant 0 : i32
    %dma_wait3A_127 = arith.constant 0 : i32
    %dma_wait3A_128 = tpu.memref_slice %arg6[%dma_wait3A_125, %dma_wait3A_126, %dma_wait3A_127] : memref<4x32x768xf32, #tpu.memory_space<vmem>> -> memref<1x32x768xf32, #tpu.memory_space<vmem>>
    %dma_wait3A_129 = tpu.memref_squeeze %dma_wait3A_128 : memref<1x32x768xf32, #tpu.memory_space<vmem>> -> memref<32x768xf32, #tpu.memory_space<vmem>>
    %dma_wait3A_130 = arith.constant 64 : i32
    %dma_wait3A_131 = tpu.memref_slice %arg5[%dma_wait3A_130] : memref<256xi32, #tpu.memory_space<vmem>> -> memref<32xi32, #tpu.memory_space<vmem>>
    %dma_wait3A_132 = arith.constant 0 : i32
    %dma_wait3A_133 = arith.constant 0 : i32
    %dma_wait3A_134 = tpu.memref_slice %arg2[%dma_wait3A_132, %dma_wait3A_133] : memref<100000x768xf32, #tpu.memory_space<hbm>> -> memref<100000x768xf32, #tpu.memory_space<hbm>>
    tpu.wait_indirect_dma semaphore(%arg7 : memref<!tpu.dma_semaphore, #tpu.memory_space<semaphore_mem>>) src(%dma_wait3A_134 : memref<100000x768xf32, #tpu.memory_space<hbm>>) dst(%dma_wait3A_129 : memref<32x768xf32, #tpu.memory_space<vmem>>)
    %add3A_135 = arith.constant 0 : i32
    %add3A_136 = arith.addi %mul3A_32, %add3A_135 : i32
    %dma_wait3A_137 = arith.constant 0 : i32
    %dma_wait3A_138 = arith.constant 0 : i32
    %dma_wait3A_139 = arith.constant 0 : i32
    %dma_wait3A_140 = tpu.memref_slice %arg6[%dma_wait3A_137, %dma_wait3A_138, %dma_wait3A_139] : memref<4x32x768xf32, #tpu.memory_space<vmem>> -> memref<1x32x768xf32, #tpu.memory_space<vmem>>
    %dma_wait3A_141 = tpu.memref_squeeze %dma_wait3A_140 : memref<1x32x768xf32, #tpu.memory_space<vmem>> -> memref<32x768xf32, #tpu.memory_space<vmem>>
    %dma_wait3A_142 = arith.constant 0 : i32
    %dma_wait3A_143 = tpu.memref_slice %arg4[%select_n3A, %add3A_136, %dma_wait3A_142] : memref<4x2048x768xf32, #tpu.memory_space<hbm>> -> memref<1x32x768xf32, #tpu.memory_space<hbm>>
    %dma_wait3A_144 = tpu.memref_squeeze %dma_wait3A_143 : memref<1x32x768xf32, #tpu.memory_space<hbm>> -> memref<32x768xf32, #tpu.memory_space<hbm>>
    %dma_wait3A_145 = arith.constant 0 : i32
    %dma_wait3A_146 = tpu.memref_slice %arg4[%select_n3A, %add3A_136, %dma_wait3A_145] : memref<4x2048x768xf32, #tpu.memory_space<hbm>> -> memref<1x32x768xf32, #tpu.memory_space<hbm>>
    %dma_wait3A_147 = tpu.memref_squeeze %dma_wait3A_146 : memref<1x32x768xf32, #tpu.memory_space<hbm>> -> memref<32x768xf32, #tpu.memory_space<hbm>>
    %dma_wait3A_148 = arith.constant 0 : i32
    %dma_wait3A_149 = arith.constant 0 : i32
    %dma_wait3A_150 = tpu.memref_slice %arg6[%dma_wait3A_137, %dma_wait3A_148, %dma_wait3A_149] : memref<4x32x768xf32, #tpu.memory_space<vmem>> -> memref<1x32x768xf32, #tpu.memory_space<vmem>>
    %dma_wait3A_151 = tpu.memref_squeeze %dma_wait3A_150 : memref<1x32x768xf32, #tpu.memory_space<vmem>> -> memref<32x768xf32, #tpu.memory_space<vmem>>
    tpu.wait_dma2 semaphore(%arg8 : memref<!tpu.dma_semaphore, #tpu.memory_space<semaphore_mem>>) src(%dma_wait3A_151 : memref<32x768xf32, #tpu.memory_space<vmem>>) dst(%dma_wait3A_147 : memref<32x768xf32, #tpu.memory_space<hbm>>)
    %dma_start3A_152 = arith.constant 0 : i32
    %dma_start3A_153 = arith.constant 0 : i32
    %dma_start3A_154 = arith.constant 0 : i32
    %dma_start3A_155 = tpu.memref_slice %arg6[%dma_start3A_152, %dma_start3A_153, %dma_start3A_154] : memref<4x32x768xf32, #tpu.memory_space<vmem>> -> memref<1x32x768xf32, #tpu.memory_space<vmem>>
    %dma_start3A_156 = tpu.memref_squeeze %dma_start3A_155 : memref<1x32x768xf32, #tpu.memory_space<vmem>> -> memref<32x768xf32, #tpu.memory_space<vmem>>
    %dma_start3A_157 = arith.constant 128 : i32
    %dma_start3A_158 = tpu.memref_slice %arg5[%dma_start3A_157] : memref<256xi32, #tpu.memory_space<vmem>> -> memref<32xi32, #tpu.memory_space<vmem>>
    %dma_start3A_159 = arith.constant 0 : i32
    %dma_start3A_160 = arith.constant 0 : i32
    %dma_start3A_161 = tpu.memref_slice %arg2[%dma_start3A_159, %dma_start3A_160] : memref<100000x768xf32, #tpu.memory_space<hbm>> -> memref<100000x768xf32, #tpu.memory_space<hbm>>
    tpu.enqueue_indirect_dma source(%dma_start3A_161 : memref<100000x768xf32, #tpu.memory_space<hbm>>) target(%dma_start3A_156 : memref<32x768xf32, #tpu.memory_space<vmem>>) offsets(%dma_start3A_158 : memref<32xi32, #tpu.memory_space<vmem>>) semaphore(%arg7 : memref<!tpu.dma_semaphore, #tpu.memory_space<semaphore_mem>>)
    %add3A_162 = arith.constant 64 : i32
    %add3A_163 = arith.addi %mul3A_32, %add3A_162 : i32
    %dma_start3A_164 = arith.constant 2 : i32
    %dma_start3A_165 = arith.constant 0 : i32
    %dma_start3A_166 = arith.constant 0 : i32
    %dma_start3A_167 = tpu.memref_slice %arg6[%dma_start3A_164, %dma_start3A_165, %dma_start3A_166] : memref<4x32x768xf32, #tpu.memory_space<vmem>> -> memref<1x32x768xf32, #tpu.memory_space<vmem>>
    %dma_start3A_168 = tpu.memref_squeeze %dma_start3A_167 : memref<1x32x768xf32, #tpu.memory_space<vmem>> -> memref<32x768xf32, #tpu.memory_space<vmem>>
    %dma_start3A_169 = arith.constant 0 : i32
    %dma_start3A_170 = tpu.memref_slice %arg4[%select_n3A, %add3A_163, %dma_start3A_169] : memref<4x2048x768xf32, #tpu.memory_space<hbm>> -> memref<1x32x768xf32, #tpu.memory_space<hbm>>
    %dma_start3A_171 = tpu.memref_squeeze %dma_start3A_170 : memref<1x32x768xf32, #tpu.memory_space<hbm>> -> memref<32x768xf32, #tpu.memory_space<hbm>>
    %dma_start3A_172 = arith.constant 0 : i32
    %dma_start3A_173 = tpu.memref_slice %arg4[%select_n3A, %add3A_163, %dma_start3A_172] : memref<4x2048x768xf32, #tpu.memory_space<hbm>> -> memref<1x32x768xf32, #tpu.memory_space<hbm>>
    %dma_start3A_174 = tpu.memref_squeeze %dma_start3A_173 : memref<1x32x768xf32, #tpu.memory_space<hbm>> -> memref<32x768xf32, #tpu.memory_space<hbm>>
    %dma_start3A_175 = arith.constant 0 : i32
    %dma_start3A_176 = arith.constant 0 : i32
    %dma_start3A_177 = tpu.memref_slice %arg6[%dma_start3A_164, %dma_start3A_175, %dma_start3A_176] : memref<4x32x768xf32, #tpu.memory_space<vmem>> -> memref<1x32x768xf32, #tpu.memory_space<vmem>>
    %dma_start3A_178 = tpu.memref_squeeze %dma_start3A_177 : memref<1x32x768xf32, #tpu.memory_space<vmem>> -> memref<32x768xf32, #tpu.memory_space<vmem>>
    tpu.enqueue_dma source(%dma_start3A_178 : memref<32x768xf32, #tpu.memory_space<vmem>>) target(%dma_start3A_174 : memref<32x768xf32, #tpu.memory_space<hbm>>) target_semaphore(%arg8 : memref<!tpu.dma_semaphore, #tpu.memory_space<semaphore_mem>>)
    %dma_wait3A_179 = arith.constant 3 : i32
    %dma_wait3A_180 = arith.constant 0 : i32
    %dma_wait3A_181 = arith.constant 0 : i32
    %dma_wait3A_182 = tpu.memref_slice %arg6[%dma_wait3A_179, %dma_wait3A_180, %dma_wait3A_181] : memref<4x32x768xf32, #tpu.memory_space<vmem>> -> memref<1x32x768xf32, #tpu.memory_space<vmem>>
    %dma_wait3A_183 = tpu.memref_squeeze %dma_wait3A_182 : memref<1x32x768xf32, #tpu.memory_space<vmem>> -> memref<32x768xf32, #tpu.memory_space<vmem>>
    %dma_wait3A_184 = arith.constant 96 : i32
    %dma_wait3A_185 = tpu.memref_slice %arg5[%dma_wait3A_184] : memref<256xi32, #tpu.memory_space<vmem>> -> memref<32xi32, #tpu.memory_space<vmem>>
    %dma_wait3A_186 = arith.constant 0 : i32
    %dma_wait3A_187 = arith.constant 0 : i32
    %dma_wait3A_188 = tpu.memref_slice %arg2[%dma_wait3A_186, %dma_wait3A_187] : memref<100000x768xf32, #tpu.memory_space<hbm>> -> memref<100000x768xf32, #tpu.memory_space<hbm>>
    tpu.wait_indirect_dma semaphore(%arg7 : memref<!tpu.dma_semaphore, #tpu.memory_space<semaphore_mem>>) src(%dma_wait3A_188 : memref<100000x768xf32, #tpu.memory_space<hbm>>) dst(%dma_wait3A_183 : memref<32x768xf32, #tpu.memory_space<vmem>>)
    %add3A_189 = arith.constant 32 : i32
    %add3A_190 = arith.addi %mul3A_32, %add3A_189 : i32
    %dma_wait3A_191 = arith.constant 1 : i32
    %dma_wait3A_192 = arith.constant 0 : i32
    %dma_wait3A_193 = arith.constant 0 : i32
    %dma_wait3A_194 = tpu.memref_slice %arg6[%dma_wait3A_191, %dma_wait3A_192, %dma_wait3A_193] : memref<4x32x768xf32, #tpu.memory_space<vmem>> -> memref<1x32x768xf32, #tpu.memory_space<vmem>>
    %dma_wait3A_195 = tpu.memref_squeeze %dma_wait3A_194 : memref<1x32x768xf32, #tpu.memory_space<vmem>> -> memref<32x768xf32, #tpu.memory_space<vmem>>
    %dma_wait3A_196 = arith.constant 0 : i32
    %dma_wait3A_197 = tpu.memref_slice %arg4[%select_n3A, %add3A_190, %dma_wait3A_196] : memref<4x2048x768xf32, #tpu.memory_space<hbm>> -> memref<1x32x768xf32, #tpu.memory_space<hbm>>
    %dma_wait3A_198 = tpu.memref_squeeze %dma_wait3A_197 : memref<1x32x768xf32, #tpu.memory_space<hbm>> -> memref<32x768xf32, #tpu.memory_space<hbm>>
    %dma_wait3A_199 = arith.constant 0 : i32
    %dma_wait3A_200 = tpu.memref_slice %arg4[%select_n3A, %add3A_190, %dma_wait3A_199] : memref<4x2048x768xf32, #tpu.memory_space<hbm>> -> memref<1x32x768xf32, #tpu.memory_space<hbm>>
    %dma_wait3A_201 = tpu.memref_squeeze %dma_wait3A_200 : memref<1x32x768xf32, #tpu.memory_space<hbm>> -> memref<32x768xf32, #tpu.memory_space<hbm>>
    %dma_wait3A_202 = arith.constant 0 : i32
    %dma_wait3A_203 = arith.constant 0 : i32
    %dma_wait3A_204 = tpu.memref_slice %arg6[%dma_wait3A_191, %dma_wait3A_202, %dma_wait3A_203] : memref<4x32x768xf32, #tpu.memory_space<vmem>> -> memref<1x32x768xf32, #tpu.memory_space<vmem>>
    %dma_wait3A_205 = tpu.memref_squeeze %dma_wait3A_204 : memref<1x32x768xf32, #tpu.memory_space<vmem>> -> memref<32x768xf32, #tpu.memory_space<vmem>>
    tpu.wait_dma2 semaphore(%arg8 : memref<!tpu.dma_semaphore, #tpu.memory_space<semaphore_mem>>) src(%dma_wait3A_205 : memref<32x768xf32, #tpu.memory_space<vmem>>) dst(%dma_wait3A_201 : memref<32x768xf32, #tpu.memory_space<hbm>>)
    %dma_start3A_206 = arith.constant 1 : i32
    %dma_start3A_207 = arith.constant 0 : i32
    %dma_start3A_208 = arith.constant 0 : i32
    %dma_start3A_209 = tpu.memref_slice %arg6[%dma_start3A_206, %dma_start3A_207, %dma_start3A_208] : memref<4x32x768xf32, #tpu.memory_space<vmem>> -> memref<1x32x768xf32, #tpu.memory_space<vmem>>
    %dma_start3A_210 = tpu.memref_squeeze %dma_start3A_209 : memref<1x32x768xf32, #tpu.memory_space<vmem>> -> memref<32x768xf32, #tpu.memory_space<vmem>>
    %dma_start3A_211 = arith.constant 160 : i32
    %dma_start3A_212 = tpu.memref_slice %arg5[%dma_start3A_211] : memref<256xi32, #tpu.memory_space<vmem>> -> memref<32xi32, #tpu.memory_space<vmem>>
    %dma_start3A_213 = arith.constant 0 : i32
    %dma_start3A_214 = arith.constant 0 : i32
    %dma_start3A_215 = tpu.memref_slice %arg2[%dma_start3A_213, %dma_start3A_214] : memref<100000x768xf32, #tpu.memory_space<hbm>> -> memref<100000x768xf32, #tpu.memory_space<hbm>>
    tpu.enqueue_indirect_dma source(%dma_start3A_215 : memref<100000x768xf32, #tpu.memory_space<hbm>>) target(%dma_start3A_210 : memref<32x768xf32, #tpu.memory_space<vmem>>) offsets(%dma_start3A_212 : memref<32xi32, #tpu.memory_space<vmem>>) semaphore(%arg7 : memref<!tpu.dma_semaphore, #tpu.memory_space<semaphore_mem>>)
    %add3A_216 = arith.constant 96 : i32
    %add3A_217 = arith.addi %mul3A_32, %add3A_216 : i32
    %dma_start3A_218 = arith.constant 3 : i32
    %dma_start3A_219 = arith.constant 0 : i32
    %dma_start3A_220 = arith.constant 0 : i32
    %dma_start3A_221 = tpu.memref_slice %arg6[%dma_start3A_218, %dma_start3A_219, %dma_start3A_220] : memref<4x32x768xf32, #tpu.memory_space<vmem>> -> memref<1x32x768xf32, #tpu.memory_space<vmem>>
    %dma_start3A_222 = tpu.memref_squeeze %dma_start3A_221 : memref<1x32x768xf32, #tpu.memory_space<vmem>> -> memref<32x768xf32, #tpu.memory_space<vmem>>
    %dma_start3A_223 = arith.constant 0 : i32
    %dma_start3A_224 = tpu.memref_slice %arg4[%select_n3A, %add3A_217, %dma_start3A_223] : memref<4x2048x768xf32, #tpu.memory_space<hbm>> -> memref<1x32x768xf32, #tpu.memory_space<hbm>>
    %dma_start3A_225 = tpu.memref_squeeze %dma_start3A_224 : memref<1x32x768xf32, #tpu.memory_space<hbm>> -> memref<32x768xf32, #tpu.memory_space<hbm>>
    %dma_start3A_226 = arith.constant 0 : i32
    %dma_start3A_227 = tpu.memref_slice %arg4[%select_n3A, %add3A_217, %dma_start3A_226] : memref<4x2048x768xf32, #tpu.memory_space<hbm>> -> memref<1x32x768xf32, #tpu.memory_space<hbm>>
    %dma_start3A_228 = tpu.memref_squeeze %dma_start3A_227 : memref<1x32x768xf32, #tpu.memory_space<hbm>> -> memref<32x768xf32, #tpu.memory_space<hbm>>
    %dma_start3A_229 = arith.constant 0 : i32
    %dma_start3A_230 = arith.constant 0 : i32
    %dma_start3A_231 = tpu.memref_slice %arg6[%dma_start3A_218, %dma_start3A_229, %dma_start3A_230] : memref<4x32x768xf32, #tpu.memory_space<vmem>> -> memref<1x32x768xf32, #tpu.memory_space<vmem>>
    %dma_start3A_232 = tpu.memref_squeeze %dma_start3A_231 : memref<1x32x768xf32, #tpu.memory_space<vmem>> -> memref<32x768xf32, #tpu.memory_space<vmem>>
    tpu.enqueue_dma source(%dma_start3A_232 : memref<32x768xf32, #tpu.memory_space<vmem>>) target(%dma_start3A_228 : memref<32x768xf32, #tpu.memory_space<hbm>>) target_semaphore(%arg8 : memref<!tpu.dma_semaphore, #tpu.memory_space<semaphore_mem>>)
    %dma_wait3A_233 = arith.constant 0 : i32
    %dma_wait3A_234 = arith.constant 0 : i32
    %dma_wait3A_235 = arith.constant 0 : i32
    %dma_wait3A_236 = tpu.memref_slice %arg6[%dma_wait3A_233, %dma_wait3A_234, %dma_wait3A_235] : memref<4x32x768xf32, #tpu.memory_space<vmem>> -> memref<1x32x768xf32, #tpu.memory_space<vmem>>
    %dma_wait3A_237 = tpu.memref_squeeze %dma_wait3A_236 : memref<1x32x768xf32, #tpu.memory_space<vmem>> -> memref<32x768xf32, #tpu.memory_space<vmem>>
    %dma_wait3A_238 = arith.constant 128 : i32
    %dma_wait3A_239 = tpu.memref_slice %arg5[%dma_wait3A_238] : memref<256xi32, #tpu.memory_space<vmem>> -> memref<32xi32, #tpu.memory_space<vmem>>
    %dma_wait3A_240 = arith.constant 0 : i32
    %dma_wait3A_241 = arith.constant 0 : i32
    %dma_wait3A_242 = tpu.memref_slice %arg2[%dma_wait3A_240, %dma_wait3A_241] : memref<100000x768xf32, #tpu.memory_space<hbm>> -> memref<100000x768xf32, #tpu.memory_space<hbm>>
    tpu.wait_indirect_dma semaphore(%arg7 : memref<!tpu.dma_semaphore, #tpu.memory_space<semaphore_mem>>) src(%dma_wait3A_242 : memref<100000x768xf32, #tpu.memory_space<hbm>>) dst(%dma_wait3A_237 : memref<32x768xf32, #tpu.memory_space<vmem>>)
    %add3A_243 = arith.constant 64 : i32
    %add3A_244 = arith.addi %mul3A_32, %add3A_243 : i32
    %dma_wait3A_245 = arith.constant 2 : i32
    %dma_wait3A_246 = arith.constant 0 : i32
    %dma_wait3A_247 = arith.constant 0 : i32
    %dma_wait3A_248 = tpu.memref_slice %arg6[%dma_wait3A_245, %dma_wait3A_246, %dma_wait3A_247] : memref<4x32x768xf32, #tpu.memory_space<vmem>> -> memref<1x32x768xf32, #tpu.memory_space<vmem>>
    %dma_wait3A_249 = tpu.memref_squeeze %dma_wait3A_248 : memref<1x32x768xf32, #tpu.memory_space<vmem>> -> memref<32x768xf32, #tpu.memory_space<vmem>>
    %dma_wait3A_250 = arith.constant 0 : i32
    %dma_wait3A_251 = tpu.memref_slice %arg4[%select_n3A, %add3A_244, %dma_wait3A_250] : memref<4x2048x768xf32, #tpu.memory_space<hbm>> -> memref<1x32x768xf32, #tpu.memory_space<hbm>>
    %dma_wait3A_252 = tpu.memref_squeeze %dma_wait3A_251 : memref<1x32x768xf32, #tpu.memory_space<hbm>> -> memref<32x768xf32, #tpu.memory_space<hbm>>
    %dma_wait3A_253 = arith.constant 0 : i32
    %dma_wait3A_254 = tpu.memref_slice %arg4[%select_n3A, %add3A_244, %dma_wait3A_253] : memref<4x2048x768xf32, #tpu.memory_space<hbm>> -> memref<1x32x768xf32, #tpu.memory_space<hbm>>
    %dma_wait3A_255 = tpu.memref_squeeze %dma_wait3A_254 : memref<1x32x768xf32, #tpu.memory_space<hbm>> -> memref<32x768xf32, #tpu.memory_space<hbm>>
    %dma_wait3A_256 = arith.constant 0 : i32
    %dma_wait3A_257 = arith.constant 0 : i32
    %dma_wait3A_258 = tpu.memref_slice %arg6[%dma_wait3A_245, %dma_wait3A_256, %dma_wait3A_257] : memref<4x32x768xf32, #tpu.memory_space<vmem>> -> memref<1x32x768xf32, #tpu.memory_space<vmem>>
    %dma_wait3A_259 = tpu.memref_squeeze %dma_wait3A_258 : memref<1x32x768xf32, #tpu.memory_space<vmem>> -> memref<32x768xf32, #tpu.memory_space<vmem>>
    tpu.wait_dma2 semaphore(%arg8 : memref<!tpu.dma_semaphore, #tpu.memory_space<semaphore_mem>>) src(%dma_wait3A_259 : memref<32x768xf32, #tpu.memory_space<vmem>>) dst(%dma_wait3A_255 : memref<32x768xf32, #tpu.memory_space<hbm>>)
    %dma_start3A_260 = arith.constant 2 : i32
    %dma_start3A_261 = arith.constant 0 : i32
    %dma_start3A_262 = arith.constant 0 : i32
    %dma_start3A_263 = tpu.memref_slice %arg6[%dma_start3A_260, %dma_start3A_261, %dma_start3A_262] : memref<4x32x768xf32, #tpu.memory_space<vmem>> -> memref<1x32x768xf32, #tpu.memory_space<vmem>>
    %dma_start3A_264 = tpu.memref_squeeze %dma_start3A_263 : memref<1x32x768xf32, #tpu.memory_space<vmem>> -> memref<32x768xf32, #tpu.memory_space<vmem>>
    %dma_start3A_265 = arith.constant 192 : i32
    %dma_start3A_266 = tpu.memref_slice %arg5[%dma_start3A_265] : memref<256xi32, #tpu.memory_space<vmem>> -> memref<32xi32, #tpu.memory_space<vmem>>
    %dma_start3A_267 = arith.constant 0 : i32
    %dma_start3A_268 = arith.constant 0 : i32
    %dma_start3A_269 = tpu.memref_slice %arg2[%dma_start3A_267, %dma_start3A_268] : memref<100000x768xf32, #tpu.memory_space<hbm>> -> memref<100000x768xf32, #tpu.memory_space<hbm>>
    tpu.enqueue_indirect_dma source(%dma_start3A_269 : memref<100000x768xf32, #tpu.memory_space<hbm>>) target(%dma_start3A_264 : memref<32x768xf32, #tpu.memory_space<vmem>>) offsets(%dma_start3A_266 : memref<32xi32, #tpu.memory_space<vmem>>) semaphore(%arg7 : memref<!tpu.dma_semaphore, #tpu.memory_space<semaphore_mem>>)
    %add3A_270 = arith.constant 128 : i32
    %add3A_271 = arith.addi %mul3A_32, %add3A_270 : i32
    %dma_start3A_272 = arith.constant 0 : i32
    %dma_start3A_273 = arith.constant 0 : i32
    %dma_start3A_274 = arith.constant 0 : i32
    %dma_start3A_275 = tpu.memref_slice %arg6[%dma_start3A_272, %dma_start3A_273, %dma_start3A_274] : memref<4x32x768xf32, #tpu.memory_space<vmem>> -> memref<1x32x768xf32, #tpu.memory_space<vmem>>
    %dma_start3A_276 = tpu.memref_squeeze %dma_start3A_275 : memref<1x32x768xf32, #tpu.memory_space<vmem>> -> memref<32x768xf32, #tpu.memory_space<vmem>>
    %dma_start3A_277 = arith.constant 0 : i32
    %dma_start3A_278 = tpu.memref_slice %arg4[%select_n3A, %add3A_271, %dma_start3A_277] : memref<4x2048x768xf32, #tpu.memory_space<hbm>> -> memref<1x32x768xf32, #tpu.memory_space<hbm>>
    %dma_start3A_279 = tpu.memref_squeeze %dma_start3A_278 : memref<1x32x768xf32, #tpu.memory_space<hbm>> -> memref<32x768xf32, #tpu.memory_space<hbm>>
    %dma_start3A_280 = arith.constant 0 : i32
    %dma_start3A_281 = tpu.memref_slice %arg4[%select_n3A, %add3A_271, %dma_start3A_280] : memref<4x2048x768xf32, #tpu.memory_space<hbm>> -> memref<1x32x768xf32, #tpu.memory_space<hbm>>
    %dma_start3A_282 = tpu.memref_squeeze %dma_start3A_281 : memref<1x32x768xf32, #tpu.memory_space<hbm>> -> memref<32x768xf32, #tpu.memory_space<hbm>>
    %dma_start3A_283 = arith.constant 0 : i32
    %dma_start3A_284 = arith.constant 0 : i32
    %dma_start3A_285 = tpu.memref_slice %arg6[%dma_start3A_272, %dma_start3A_283, %dma_start3A_284] : memref<4x32x768xf32, #tpu.memory_space<vmem>> -> memref<1x32x768xf32, #tpu.memory_space<vmem>>
    %dma_start3A_286 = tpu.memref_squeeze %dma_start3A_285 : memref<1x32x768xf32, #tpu.memory_space<vmem>> -> memref<32x768xf32, #tpu.memory_space<vmem>>
    tpu.enqueue_dma source(%dma_start3A_286 : memref<32x768xf32, #tpu.memory_space<vmem>>) target(%dma_start3A_282 : memref<32x768xf32, #tpu.memory_space<hbm>>) target_semaphore(%arg8 : memref<!tpu.dma_semaphore, #tpu.memory_space<semaphore_mem>>)
    %dma_wait3A_287 = arith.constant 1 : i32
    %dma_wait3A_288 = arith.constant 0 : i32
    %dma_wait3A_289 = arith.constant 0 : i32
    %dma_wait3A_290 = tpu.memref_slice %arg6[%dma_wait3A_287, %dma_wait3A_288, %dma_wait3A_289] : memref<4x32x768xf32, #tpu.memory_space<vmem>> -> memref<1x32x768xf32, #tpu.memory_space<vmem>>
    %dma_wait3A_291 = tpu.memref_squeeze %dma_wait3A_290 : memref<1x32x768xf32, #tpu.memory_space<vmem>> -> memref<32x768xf32, #tpu.memory_space<vmem>>
    %dma_wait3A_292 = arith.constant 160 : i32
    %dma_wait3A_293 = tpu.memref_slice %arg5[%dma_wait3A_292] : memref<256xi32, #tpu.memory_space<vmem>> -> memref<32xi32, #tpu.memory_space<vmem>>
    %dma_wait3A_294 = arith.constant 0 : i32
    %dma_wait3A_295 = arith.constant 0 : i32
    %dma_wait3A_296 = tpu.memref_slice %arg2[%dma_wait3A_294, %dma_wait3A_295] : memref<100000x768xf32, #tpu.memory_space<hbm>> -> memref<100000x768xf32, #tpu.memory_space<hbm>>
    tpu.wait_indirect_dma semaphore(%arg7 : memref<!tpu.dma_semaphore, #tpu.memory_space<semaphore_mem>>) src(%dma_wait3A_296 : memref<100000x768xf32, #tpu.memory_space<hbm>>) dst(%dma_wait3A_291 : memref<32x768xf32, #tpu.memory_space<vmem>>)
    %add3A_297 = arith.constant 96 : i32
    %add3A_298 = arith.addi %mul3A_32, %add3A_297 : i32
    %dma_wait3A_299 = arith.constant 3 : i32
    %dma_wait3A_300 = arith.constant 0 : i32
    %dma_wait3A_301 = arith.constant 0 : i32
    %dma_wait3A_302 = tpu.memref_slice %arg6[%dma_wait3A_299, %dma_wait3A_300, %dma_wait3A_301] : memref<4x32x768xf32, #tpu.memory_space<vmem>> -> memref<1x32x768xf32, #tpu.memory_space<vmem>>
    %dma_wait3A_303 = tpu.memref_squeeze %dma_wait3A_302 : memref<1x32x768xf32, #tpu.memory_space<vmem>> -> memref<32x768xf32, #tpu.memory_space<vmem>>
    %dma_wait3A_304 = arith.constant 0 : i32
    %dma_wait3A_305 = tpu.memref_slice %arg4[%select_n3A, %add3A_298, %dma_wait3A_304] : memref<4x2048x768xf32, #tpu.memory_space<hbm>> -> memref<1x32x768xf32, #tpu.memory_space<hbm>>
    %dma_wait3A_306 = tpu.memref_squeeze %dma_wait3A_305 : memref<1x32x768xf32, #tpu.memory_space<hbm>> -> memref<32x768xf32, #tpu.memory_space<hbm>>
    %dma_wait3A_307 = arith.constant 0 : i32
    %dma_wait3A_308 = tpu.memref_slice %arg4[%select_n3A, %add3A_298, %dma_wait3A_307] : memref<4x2048x768xf32, #tpu.memory_space<hbm>> -> memref<1x32x768xf32, #tpu.memory_space<hbm>>
    %dma_wait3A_309 = tpu.memref_squeeze %dma_wait3A_308 : memref<1x32x768xf32, #tpu.memory_space<hbm>> -> memref<32x768xf32, #tpu.memory_space<hbm>>
    %dma_wait3A_310 = arith.constant 0 : i32
    %dma_wait3A_311 = arith.constant 0 : i32
    %dma_wait3A_312 = tpu.memref_slice %arg6[%dma_wait3A_299, %dma_wait3A_310, %dma_wait3A_311] : memref<4x32x768xf32, #tpu.memory_space<vmem>> -> memref<1x32x768xf32, #tpu.memory_space<vmem>>
    %dma_wait3A_313 = tpu.memref_squeeze %dma_wait3A_312 : memref<1x32x768xf32, #tpu.memory_space<vmem>> -> memref<32x768xf32, #tpu.memory_space<vmem>>
    tpu.wait_dma2 semaphore(%arg8 : memref<!tpu.dma_semaphore, #tpu.memory_space<semaphore_mem>>) src(%dma_wait3A_313 : memref<32x768xf32, #tpu.memory_space<vmem>>) dst(%dma_wait3A_309 : memref<32x768xf32, #tpu.memory_space<hbm>>)
    %dma_start3A_314 = arith.constant 3 : i32
    %dma_start3A_315 = arith.constant 0 : i32
    %dma_start3A_316 = arith.constant 0 : i32
    %dma_start3A_317 = tpu.memref_slice %arg6[%dma_start3A_314, %dma_start3A_315, %dma_start3A_316] : memref<4x32x768xf32, #tpu.memory_space<vmem>> -> memref<1x32x768xf32, #tpu.memory_space<vmem>>
    %dma_start3A_318 = tpu.memref_squeeze %dma_start3A_317 : memref<1x32x768xf32, #tpu.memory_space<vmem>> -> memref<32x768xf32, #tpu.memory_space<vmem>>
    %dma_start3A_319 = arith.constant 224 : i32
    %dma_start3A_320 = tpu.memref_slice %arg5[%dma_start3A_319] : memref<256xi32, #tpu.memory_space<vmem>> -> memref<32xi32, #tpu.memory_space<vmem>>
    %dma_start3A_321 = arith.constant 0 : i32
    %dma_start3A_322 = arith.constant 0 : i32
    %dma_start3A_323 = tpu.memref_slice %arg2[%dma_start3A_321, %dma_start3A_322] : memref<100000x768xf32, #tpu.memory_space<hbm>> -> memref<100000x768xf32, #tpu.memory_space<hbm>>
    tpu.enqueue_indirect_dma source(%dma_start3A_323 : memref<100000x768xf32, #tpu.memory_space<hbm>>) target(%dma_start3A_318 : memref<32x768xf32, #tpu.memory_space<vmem>>) offsets(%dma_start3A_320 : memref<32xi32, #tpu.memory_space<vmem>>) semaphore(%arg7 : memref<!tpu.dma_semaphore, #tpu.memory_space<semaphore_mem>>)
    %add3A_324 = arith.constant 160 : i32
    %add3A_325 = arith.addi %mul3A_32, %add3A_324 : i32
    %dma_start3A_326 = arith.constant 1 : i32
    %dma_start3A_327 = arith.constant 0 : i32
    %dma_start3A_328 = arith.constant 0 : i32
    %dma_start3A_329 = tpu.memref_slice %arg6[%dma_start3A_326, %dma_start3A_327, %dma_start3A_328] : memref<4x32x768xf32, #tpu.memory_space<vmem>> -> memref<1x32x768xf32, #tpu.memory_space<vmem>>
    %dma_start3A_330 = tpu.memref_squeeze %dma_start3A_329 : memref<1x32x768xf32, #tpu.memory_space<vmem>> -> memref<32x768xf32, #tpu.memory_space<vmem>>
    %dma_start3A_331 = arith.constant 0 : i32
    %dma_start3A_332 = tpu.memref_slice %arg4[%select_n3A, %add3A_325, %dma_start3A_331] : memref<4x2048x768xf32, #tpu.memory_space<hbm>> -> memref<1x32x768xf32, #tpu.memory_space<hbm>>
    %dma_start3A_333 = tpu.memref_squeeze %dma_start3A_332 : memref<1x32x768xf32, #tpu.memory_space<hbm>> -> memref<32x768xf32, #tpu.memory_space<hbm>>
    %dma_start3A_334 = arith.constant 0 : i32
    %dma_start3A_335 = tpu.memref_slice %arg4[%select_n3A, %add3A_325, %dma_start3A_334] : memref<4x2048x768xf32, #tpu.memory_space<hbm>> -> memref<1x32x768xf32, #tpu.memory_space<hbm>>
    %dma_start3A_336 = tpu.memref_squeeze %dma_start3A_335 : memref<1x32x768xf32, #tpu.memory_space<hbm>> -> memref<32x768xf32, #tpu.memory_space<hbm>>
    %dma_start3A_337 = arith.constant 0 : i32
    %dma_start3A_338 = arith.constant 0 : i32
    %dma_start3A_339 = tpu.memref_slice %arg6[%dma_start3A_326, %dma_start3A_337, %dma_start3A_338] : memref<4x32x768xf32, #tpu.memory_space<vmem>> -> memref<1x32x768xf32, #tpu.memory_space<vmem>>
    %dma_start3A_340 = tpu.memref_squeeze %dma_start3A_339 : memref<1x32x768xf32, #tpu.memory_space<vmem>> -> memref<32x768xf32, #tpu.memory_space<vmem>>
    tpu.enqueue_dma source(%dma_start3A_340 : memref<32x768xf32, #tpu.memory_space<vmem>>) target(%dma_start3A_336 : memref<32x768xf32, #tpu.memory_space<hbm>>) target_semaphore(%arg8 : memref<!tpu.dma_semaphore, #tpu.memory_space<semaphore_mem>>)
    %dma_wait3A_341 = arith.constant 2 : i32
    %dma_wait3A_342 = arith.constant 0 : i32
    %dma_wait3A_343 = arith.constant 0 : i32
    %dma_wait3A_344 = tpu.memref_slice %arg6[%dma_wait3A_341, %dma_wait3A_342, %dma_wait3A_343] : memref<4x32x768xf32, #tpu.memory_space<vmem>> -> memref<1x32x768xf32, #tpu.memory_space<vmem>>
    %dma_wait3A_345 = tpu.memref_squeeze %dma_wait3A_344 : memref<1x32x768xf32, #tpu.memory_space<vmem>> -> memref<32x768xf32, #tpu.memory_space<vmem>>
    %dma_wait3A_346 = arith.constant 192 : i32
    %dma_wait3A_347 = tpu.memref_slice %arg5[%dma_wait3A_346] : memref<256xi32, #tpu.memory_space<vmem>> -> memref<32xi32, #tpu.memory_space<vmem>>
    %dma_wait3A_348 = arith.constant 0 : i32
    %dma_wait3A_349 = arith.constant 0 : i32
    %dma_wait3A_350 = tpu.memref_slice %arg2[%dma_wait3A_348, %dma_wait3A_349] : memref<100000x768xf32, #tpu.memory_space<hbm>> -> memref<100000x768xf32, #tpu.memory_space<hbm>>
    tpu.wait_indirect_dma semaphore(%arg7 : memref<!tpu.dma_semaphore, #tpu.memory_space<semaphore_mem>>) src(%dma_wait3A_350 : memref<100000x768xf32, #tpu.memory_space<hbm>>) dst(%dma_wait3A_345 : memref<32x768xf32, #tpu.memory_space<vmem>>)
    %add3A_351 = arith.constant 192 : i32
    %add3A_352 = arith.addi %mul3A_32, %add3A_351 : i32
    %dma_start3A_353 = arith.constant 2 : i32
    %dma_start3A_354 = arith.constant 0 : i32
    %dma_start3A_355 = arith.constant 0 : i32
    %dma_start3A_356 = tpu.memref_slice %arg6[%dma_start3A_353, %dma_start3A_354, %dma_start3A_355] : memref<4x32x768xf32, #tpu.memory_space<vmem>> -> memref<1x32x768xf32, #tpu.memory_space<vmem>>
    %dma_start3A_357 = tpu.memref_squeeze %dma_start3A_356 : memref<1x32x768xf32, #tpu.memory_space<vmem>> -> memref<32x768xf32, #tpu.memory_space<vmem>>
    %dma_start3A_358 = arith.constant 0 : i32
    %dma_start3A_359 = tpu.memref_slice %arg4[%select_n3A, %add3A_352, %dma_start3A_358] : memref<4x2048x768xf32, #tpu.memory_space<hbm>> -> memref<1x32x768xf32, #tpu.memory_space<hbm>>
    %dma_start3A_360 = tpu.memref_squeeze %dma_start3A_359 : memref<1x32x768xf32, #tpu.memory_space<hbm>> -> memref<32x768xf32, #tpu.memory_space<hbm>>
    %dma_start3A_361 = arith.constant 0 : i32
    %dma_start3A_362 = tpu.memref_slice %arg4[%select_n3A, %add3A_352, %dma_start3A_361] : memref<4x2048x768xf32, #tpu.memory_space<hbm>> -> memref<1x32x768xf32, #tpu.memory_space<hbm>>
    %dma_start3A_363 = tpu.memref_squeeze %dma_start3A_362 : memref<1x32x768xf32, #tpu.memory_space<hbm>> -> memref<32x768xf32, #tpu.memory_space<hbm>>
    %dma_start3A_364 = arith.constant 0 : i32
    %dma_start3A_365 = arith.constant 0 : i32
    %dma_start3A_366 = tpu.memref_slice %arg6[%dma_start3A_353, %dma_start3A_364, %dma_start3A_365] : memref<4x32x768xf32, #tpu.memory_space<vmem>> -> memref<1x32x768xf32, #tpu.memory_space<vmem>>
    %dma_start3A_367 = tpu.memref_squeeze %dma_start3A_366 : memref<1x32x768xf32, #tpu.memory_space<vmem>> -> memref<32x768xf32, #tpu.memory_space<vmem>>
    tpu.enqueue_dma source(%dma_start3A_367 : memref<32x768xf32, #tpu.memory_space<vmem>>) target(%dma_start3A_363 : memref<32x768xf32, #tpu.memory_space<hbm>>) target_semaphore(%arg8 : memref<!tpu.dma_semaphore, #tpu.memory_space<semaphore_mem>>)
    %dma_wait3A_368 = arith.constant 3 : i32
    %dma_wait3A_369 = arith.constant 0 : i32
    %dma_wait3A_370 = arith.constant 0 : i32
    %dma_wait3A_371 = tpu.memref_slice %arg6[%dma_wait3A_368, %dma_wait3A_369, %dma_wait3A_370] : memref<4x32x768xf32, #tpu.memory_space<vmem>> -> memref<1x32x768xf32, #tpu.memory_space<vmem>>
    %dma_wait3A_372 = tpu.memref_squeeze %dma_wait3A_371 : memref<1x32x768xf32, #tpu.memory_space<vmem>> -> memref<32x768xf32, #tpu.memory_space<vmem>>
    %dma_wait3A_373 = arith.constant 224 : i32
    %dma_wait3A_374 = tpu.memref_slice %arg5[%dma_wait3A_373] : memref<256xi32, #tpu.memory_space<vmem>> -> memref<32xi32, #tpu.memory_space<vmem>>
    %dma_wait3A_375 = arith.constant 0 : i32
    %dma_wait3A_376 = arith.constant 0 : i32
    %dma_wait3A_377 = tpu.memref_slice %arg2[%dma_wait3A_375, %dma_wait3A_376] : memref<100000x768xf32, #tpu.memory_space<hbm>> -> memref<100000x768xf32, #tpu.memory_space<hbm>>
    tpu.wait_indirect_dma semaphore(%arg7 : memref<!tpu.dma_semaphore, #tpu.memory_space<semaphore_mem>>) src(%dma_wait3A_377 : memref<100000x768xf32, #tpu.memory_space<hbm>>) dst(%dma_wait3A_372 : memref<32x768xf32, #tpu.memory_space<vmem>>)
    %add3A_378 = arith.constant 224 : i32
    %add3A_379 = arith.addi %mul3A_32, %add3A_378 : i32
    %dma_start3A_380 = arith.constant 3 : i32
    %dma_start3A_381 = arith.constant 0 : i32
    %dma_start3A_382 = arith.constant 0 : i32
    %dma_start3A_383 = tpu.memref_slice %arg6[%dma_start3A_380, %dma_start3A_381, %dma_start3A_382] : memref<4x32x768xf32, #tpu.memory_space<vmem>> -> memref<1x32x768xf32, #tpu.memory_space<vmem>>
    %dma_start3A_384 = tpu.memref_squeeze %dma_start3A_383 : memref<1x32x768xf32, #tpu.memory_space<vmem>> -> memref<32x768xf32, #tpu.memory_space<vmem>>
    %dma_start3A_385 = arith.constant 0 : i32
    %dma_start3A_386 = tpu.memref_slice %arg4[%select_n3A, %add3A_379, %dma_start3A_385] : memref<4x2048x768xf32, #tpu.memory_space<hbm>> -> memref<1x32x768xf32, #tpu.memory_space<hbm>>
    %dma_start3A_387 = tpu.memref_squeeze %dma_start3A_386 : memref<1x32x768xf32, #tpu.memory_space<hbm>> -> memref<32x768xf32, #tpu.memory_space<hbm>>
    %dma_start3A_388 = arith.constant 0 : i32
    %dma_start3A_389 = tpu.memref_slice %arg4[%select_n3A, %add3A_379, %dma_start3A_388] : memref<4x2048x768xf32, #tpu.memory_space<hbm>> -> memref<1x32x768xf32, #tpu.memory_space<hbm>>
    %dma_start3A_390 = tpu.memref_squeeze %dma_start3A_389 : memref<1x32x768xf32, #tpu.memory_space<hbm>> -> memref<32x768xf32, #tpu.memory_space<hbm>>
    %dma_start3A_391 = arith.constant 0 : i32
    %dma_start3A_392 = arith.constant 0 : i32
    %dma_start3A_393 = tpu.memref_slice %arg6[%dma_start3A_380, %dma_start3A_391, %dma_start3A_392] : memref<4x32x768xf32, #tpu.memory_space<vmem>> -> memref<1x32x768xf32, #tpu.memory_space<vmem>>
    %dma_start3A_394 = tpu.memref_squeeze %dma_start3A_393 : memref<1x32x768xf32, #tpu.memory_space<vmem>> -> memref<32x768xf32, #tpu.memory_space<vmem>>
    tpu.enqueue_dma source(%dma_start3A_394 : memref<32x768xf32, #tpu.memory_space<vmem>>) target(%dma_start3A_390 : memref<32x768xf32, #tpu.memory_space<hbm>>) target_semaphore(%arg8 : memref<!tpu.dma_semaphore, #tpu.memory_space<semaphore_mem>>)
    %add3A_395 = arith.constant 128 : i32
    %add3A_396 = arith.addi %mul3A_32, %add3A_395 : i32
    %dma_wait3A_397 = arith.constant 0 : i32
    %dma_wait3A_398 = arith.constant 0 : i32
    %dma_wait3A_399 = arith.constant 0 : i32
    %dma_wait3A_400 = tpu.memref_slice %arg6[%dma_wait3A_397, %dma_wait3A_398, %dma_wait3A_399] : memref<4x32x768xf32, #tpu.memory_space<vmem>> -> memref<1x32x768xf32, #tpu.memory_space<vmem>>
    %dma_wait3A_401 = tpu.memref_squeeze %dma_wait3A_400 : memref<1x32x768xf32, #tpu.memory_space<vmem>> -> memref<32x768xf32, #tpu.memory_space<vmem>>
    %dma_wait3A_402 = arith.constant 0 : i32
    %dma_wait3A_403 = tpu.memref_slice %arg4[%select_n3A, %add3A_396, %dma_wait3A_402] : memref<4x2048x768xf32, #tpu.memory_space<hbm>> -> memref<1x32x768xf32, #tpu.memory_space<hbm>>
    %dma_wait3A_404 = tpu.memref_squeeze %dma_wait3A_403 : memref<1x32x768xf32, #tpu.memory_space<hbm>> -> memref<32x768xf32, #tpu.memory_space<hbm>>
    %dma_wait3A_405 = arith.constant 0 : i32
    %dma_wait3A_406 = tpu.memref_slice %arg4[%select_n3A, %add3A_396, %dma_wait3A_405] : memref<4x2048x768xf32, #tpu.memory_space<hbm>> -> memref<1x32x768xf32, #tpu.memory_space<hbm>>
    %dma_wait3A_407 = tpu.memref_squeeze %dma_wait3A_406 : memref<1x32x768xf32, #tpu.memory_space<hbm>> -> memref<32x768xf32, #tpu.memory_space<hbm>>
    %dma_wait3A_408 = arith.constant 0 : i32
    %dma_wait3A_409 = arith.constant 0 : i32
    %dma_wait3A_410 = tpu.memref_slice %arg6[%dma_wait3A_397, %dma_wait3A_408, %dma_wait3A_409] : memref<4x32x768xf32, #tpu.memory_space<vmem>> -> memref<1x32x768xf32, #tpu.memory_space<vmem>>
    %dma_wait3A_411 = tpu.memref_squeeze %dma_wait3A_410 : memref<1x32x768xf32, #tpu.memory_space<vmem>> -> memref<32x768xf32, #tpu.memory_space<vmem>>
    tpu.wait_dma2 semaphore(%arg8 : memref<!tpu.dma_semaphore, #tpu.memory_space<semaphore_mem>>) src(%dma_wait3A_411 : memref<32x768xf32, #tpu.memory_space<vmem>>) dst(%dma_wait3A_407 : memref<32x768xf32, #tpu.memory_space<hbm>>)
    %add3A_412 = arith.constant 160 : i32
    %add3A_413 = arith.addi %mul3A_32, %add3A_412 : i32
    %dma_wait3A_414 = arith.constant 1 : i32
    %dma_wait3A_415 = arith.constant 0 : i32
    %dma_wait3A_416 = arith.constant 0 : i32
    %dma_wait3A_417 = tpu.memref_slice %arg6[%dma_wait3A_414, %dma_wait3A_415, %dma_wait3A_416] : memref<4x32x768xf32, #tpu.memory_space<vmem>> -> memref<1x32x768xf32, #tpu.memory_space<vmem>>
    %dma_wait3A_418 = tpu.memref_squeeze %dma_wait3A_417 : memref<1x32x768xf32, #tpu.memory_space<vmem>> -> memref<32x768xf32, #tpu.memory_space<vmem>>
    %dma_wait3A_419 = arith.constant 0 : i32
    %dma_wait3A_420 = tpu.memref_slice %arg4[%select_n3A, %add3A_413, %dma_wait3A_419] : memref<4x2048x768xf32, #tpu.memory_space<hbm>> -> memref<1x32x768xf32, #tpu.memory_space<hbm>>
    %dma_wait3A_421 = tpu.memref_squeeze %dma_wait3A_420 : memref<1x32x768xf32, #tpu.memory_space<hbm>> -> memref<32x768xf32, #tpu.memory_space<hbm>>
    %dma_wait3A_422 = arith.constant 0 : i32
    %dma_wait3A_423 = tpu.memref_slice %arg4[%select_n3A, %add3A_413, %dma_wait3A_422] : memref<4x2048x768xf32, #tpu.memory_space<hbm>> -> memref<1x32x768xf32, #tpu.memory_space<hbm>>
    %dma_wait3A_424 = tpu.memref_squeeze %dma_wait3A_423 : memref<1x32x768xf32, #tpu.memory_space<hbm>> -> memref<32x768xf32, #tpu.memory_space<hbm>>
    %dma_wait3A_425 = arith.constant 0 : i32
    %dma_wait3A_426 = arith.constant 0 : i32
    %dma_wait3A_427 = tpu.memref_slice %arg6[%dma_wait3A_414, %dma_wait3A_425, %dma_wait3A_426] : memref<4x32x768xf32, #tpu.memory_space<vmem>> -> memref<1x32x768xf32, #tpu.memory_space<vmem>>
    %dma_wait3A_428 = tpu.memref_squeeze %dma_wait3A_427 : memref<1x32x768xf32, #tpu.memory_space<vmem>> -> memref<32x768xf32, #tpu.memory_space<vmem>>
    tpu.wait_dma2 semaphore(%arg8 : memref<!tpu.dma_semaphore, #tpu.memory_space<semaphore_mem>>) src(%dma_wait3A_428 : memref<32x768xf32, #tpu.memory_space<vmem>>) dst(%dma_wait3A_424 : memref<32x768xf32, #tpu.memory_space<hbm>>)
    %add3A_429 = arith.constant 192 : i32
    %add3A_430 = arith.addi %mul3A_32, %add3A_429 : i32
    %dma_wait3A_431 = arith.constant 2 : i32
    %dma_wait3A_432 = arith.constant 0 : i32
    %dma_wait3A_433 = arith.constant 0 : i32
    %dma_wait3A_434 = tpu.memref_slice %arg6[%dma_wait3A_431, %dma_wait3A_432, %dma_wait3A_433] : memref<4x32x768xf32, #tpu.memory_space<vmem>> -> memref<1x32x768xf32, #tpu.memory_space<vmem>>
    %dma_wait3A_435 = tpu.memref_squeeze %dma_wait3A_434 : memref<1x32x768xf32, #tpu.memory_space<vmem>> -> memref<32x768xf32, #tpu.memory_space<vmem>>
    %dma_wait3A_436 = arith.constant 0 : i32
    %dma_wait3A_437 = tpu.memref_slice %arg4[%select_n3A, %add3A_430, %dma_wait3A_436] : memref<4x2048x768xf32, #tpu.memory_space<hbm>> -> memref<1x32x768xf32, #tpu.memory_space<hbm>>
    %dma_wait3A_438 = tpu.memref_squeeze %dma_wait3A_437 : memref<1x32x768xf32, #tpu.memory_space<hbm>> -> memref<32x768xf32, #tpu.memory_space<hbm>>
    %dma_wait3A_439 = arith.constant 0 : i32
    %dma_wait3A_440 = tpu.memref_slice %arg4[%select_n3A, %add3A_430, %dma_wait3A_439] : memref<4x2048x768xf32, #tpu.memory_space<hbm>> -> memref<1x32x768xf32, #tpu.memory_space<hbm>>
    %dma_wait3A_441 = tpu.memref_squeeze %dma_wait3A_440 : memref<1x32x768xf32, #tpu.memory_space<hbm>> -> memref<32x768xf32, #tpu.memory_space<hbm>>
    %dma_wait3A_442 = arith.constant 0 : i32
    %dma_wait3A_443 = arith.constant 0 : i32
    %dma_wait3A_444 = tpu.memref_slice %arg6[%dma_wait3A_431, %dma_wait3A_442, %dma_wait3A_443] : memref<4x32x768xf32, #tpu.memory_space<vmem>> -> memref<1x32x768xf32, #tpu.memory_space<vmem>>
    %dma_wait3A_445 = tpu.memref_squeeze %dma_wait3A_444 : memref<1x32x768xf32, #tpu.memory_space<vmem>> -> memref<32x768xf32, #tpu.memory_space<vmem>>
    tpu.wait_dma2 semaphore(%arg8 : memref<!tpu.dma_semaphore, #tpu.memory_space<semaphore_mem>>) src(%dma_wait3A_445 : memref<32x768xf32, #tpu.memory_space<vmem>>) dst(%dma_wait3A_441 : memref<32x768xf32, #tpu.memory_space<hbm>>)
    %add3A_446 = arith.constant 224 : i32
    %add3A_447 = arith.addi %mul3A_32, %add3A_446 : i32
    %dma_wait3A_448 = arith.constant 3 : i32
    %dma_wait3A_449 = arith.constant 0 : i32
    %dma_wait3A_450 = arith.constant 0 : i32
    %dma_wait3A_451 = tpu.memref_slice %arg6[%dma_wait3A_448, %dma_wait3A_449, %dma_wait3A_450] : memref<4x32x768xf32, #tpu.memory_space<vmem>> -> memref<1x32x768xf32, #tpu.memory_space<vmem>>
    %dma_wait3A_452 = tpu.memref_squeeze %dma_wait3A_451 : memref<1x32x768xf32, #tpu.memory_space<vmem>> -> memref<32x768xf32, #tpu.memory_space<vmem>>
    %dma_wait3A_453 = arith.constant 0 : i32
    %dma_wait3A_454 = tpu.memref_slice %arg4[%select_n3A, %add3A_447, %dma_wait3A_453] : memref<4x2048x768xf32, #tpu.memory_space<hbm>> -> memref<1x32x768xf32, #tpu.memory_space<hbm>>
    %dma_wait3A_455 = tpu.memref_squeeze %dma_wait3A_454 : memref<1x32x768xf32, #tpu.memory_space<hbm>> -> memref<32x768xf32, #tpu.memory_space<hbm>>
    %dma_wait3A_456 = arith.constant 0 : i32
    %dma_wait3A_457 = tpu.memref_slice %arg4[%select_n3A, %add3A_447, %dma_wait3A_456] : memref<4x2048x768xf32, #tpu.memory_space<hbm>> -> memref<1x32x768xf32, #tpu.memory_space<hbm>>
    %dma_wait3A_458 = tpu.memref_squeeze %dma_wait3A_457 : memref<1x32x768xf32, #tpu.memory_space<hbm>> -> memref<32x768xf32, #tpu.memory_space<hbm>>
    %dma_wait3A_459 = arith.constant 0 : i32
    %dma_wait3A_460 = arith.constant 0 : i32
    %dma_wait3A_461 = tpu.memref_slice %arg6[%dma_wait3A_448, %dma_wait3A_459, %dma_wait3A_460] : memref<4x32x768xf32, #tpu.memory_space<vmem>> -> memref<1x32x768xf32, #tpu.memory_space<vmem>>
    %dma_wait3A_462 = tpu.memref_squeeze %dma_wait3A_461 : memref<1x32x768xf32, #tpu.memory_space<vmem>> -> memref<32x768xf32, #tpu.memory_space<vmem>>
    tpu.wait_dma2 semaphore(%arg8 : memref<!tpu.dma_semaphore, #tpu.memory_space<semaphore_mem>>) src(%dma_wait3A_462 : memref<32x768xf32, #tpu.memory_space<vmem>>) dst(%dma_wait3A_458 : memref<32x768xf32, #tpu.memory_space<hbm>>)
    return
  }
}

module attributes {stable_mosaic.version = 14 : i64} {
  func.func @_tc_body(%arg0: i32, %arg1: i32, %arg2: memref<1x2048x768xf32, #tpu.memory_space<vmem>>, %arg3: memref<2048x768xf32, #tpu.memory_space<vmem>>, %arg4: memref<4x2048xf32, #tpu.memory_space<vmem>>, %arg5: memref<2x768xf32, #tpu.memory_space<vmem>>, %arg6: memref<768xf32, #tpu.memory_space<vmem>>, %arg7: memref<768xf32, #tpu.memory_space<vmem>>, %arg8: memref<1x2048x768xf32, #tpu.memory_space<vmem>>) attributes {dimension_semantics = [#tpu.dimension_semantics<parallel>, #tpu.dimension_semantics<parallel>], iteration_bounds = array<i64: 1, 4>, scalar_prefetch = 0 : i64, scratch_operands = 0 : i64, tpu.core_type = #tpu.core_type<tc>, window_params = [{transform_indices = @transform_0, window_bounds = array<i64: 1, 2048, 768>}, {transform_indices = @transform_1, window_bounds = array<i64: 2048, 768>}, {transform_indices = @transform_2, window_bounds = array<i64: 4, 2048>}, {pipeline_mode = #tpu.pipeline_mode<synchronous>, transform_indices = @transform_3, window_bounds = array<i64: 2, 768>}, {pipeline_mode = #tpu.pipeline_mode<synchronous>, transform_indices = @transform_4, window_bounds = array<i64: 768>}, {pipeline_mode = #tpu.pipeline_mode<synchronous>, transform_indices = @transform_5, window_bounds = array<i64: 768>}, {transform_indices = @transform_6, window_bounds = array<i64: 1, 2048, 768>}]} {
    %get3A = arith.constant 0 : index
    %get3A_0 = arith.constant 0 : index
    %get3A_1 = vector.load %arg5[%get3A, %get3A_0] : memref<2x768xf32, #tpu.memory_space<vmem>>, vector<1x768xf32>
    %get3A_2 = arith.constant 1 : index
    %get3A_3 = arith.constant 0 : index
    %get3A_4 = vector.load %arg5[%get3A_2, %get3A_3] : memref<2x768xf32, #tpu.memory_space<vmem>>, vector<1x768xf32>
    %iota3A = tpu.iota {dimensions = array<i32: 0>} : vector<4x1xi32>
    %eq3A = vector.broadcast %arg1 : i32 to vector<4x1xi32>
    %eq3A_5 = arith.cmpi eq, %iota3A, %eq3A : vector<4x1xi32>
    %convert_element_type3A = arith.extui %eq3A_5 : vector<4x1xi1> to vector<4x1xi32>
    %convert_element_type3A_6 = arith.sitofp %convert_element_type3A : vector<4x1xi32> to vector<4x1xf32>
    %get3A_7 = arith.constant 0 : index
    %get3A_8 = arith.constant 0 : index
    %get3A_9 = vector.load %arg4[%get3A_7, %get3A_8] : memref<4x2048xf32, #tpu.memory_space<vmem>>, vector<4x2048xf32>
    %dot_general3A = arith.constant dense<0.000000e+00> : vector<2048x1xf32>
    %dot_general3A_10 = tpu.matmul %get3A_9, %convert_element_type3A_6, %dot_general3A {dimension_numbers = #tpu.dot_dimension_numbers<[0], [0], [1], [1], [0, 1, 1, 1], [], []>, transpose_lhs_hint = false} : vector<4x2048xf32>, vector<4x1xf32>, vector<2048x1xf32> -> vector<2048x1xf32>
    %get3A_11 = arith.constant 0 : index
    %get3A_12 = arith.constant 0 : index
    %get3A_13 = arith.constant 0 : index
    %get3A_14 = vector.load %arg2[%get3A_11, %get3A_12, %get3A_13] : memref<1x2048x768xf32, #tpu.memory_space<vmem>>, vector<1x2048x768xf32>
    %get3A_15 = vector.shape_cast %get3A_14 : vector<1x2048x768xf32> to vector<2048x768xf32>
    %get3A_16 = arith.constant 0 : index
    %get3A_17 = arith.constant 0 : index
    %get3A_18 = vector.load %arg3[%get3A_16, %get3A_17] : memref<2048x768xf32, #tpu.memory_space<vmem>>, vector<2048x768xf32>
    %add3A = arith.addf %get3A_15, %get3A_18 : vector<2048x768xf32>
    %add3A_19 = vector.broadcast %get3A_1 : vector<1x768xf32> to vector<2048x768xf32>
    %add3A_20 = arith.addf %add3A, %add3A_19 : vector<2048x768xf32>
    %sub3A = arith.subf %get3A_4, %get3A_1 : vector<1x768xf32>
    %mul3A = vector.broadcast %dot_general3A_10 : vector<2048x1xf32> to vector<2048x768xf32>
    %mul3A_21 = vector.broadcast %sub3A : vector<1x768xf32> to vector<2048x768xf32>
    %mul3A_22 = arith.mulf %mul3A, %mul3A_21 : vector<2048x768xf32>
    %add3A_23 = arith.addf %add3A_20, %mul3A_22 : vector<2048x768xf32>
    %reduce_sum3A = arith.constant dense<0.000000e+00> : vector<2048xf32>
    %reduce_sum3A_24 = vector.multi_reduction <add>, %add3A_23, %reduce_sum3A [1] : vector<2048x768xf32> to vector<2048xf32>
    %broadcast_in_dim3A = vector.shape_cast %reduce_sum3A_24 : vector<2048xf32> to vector<2048x1xf32>
    %div3A = arith.constant 7.680000e+02 : f32
    %div3A_25 = vector.broadcast %div3A : f32 to vector<2048x1xf32>
    %div3A_26 = arith.divf %broadcast_in_dim3A, %div3A_25 : vector<2048x1xf32>
    %sub3A_27 = vector.broadcast %div3A_26 : vector<2048x1xf32> to vector<2048x768xf32>
    %sub3A_28 = arith.subf %add3A_23, %sub3A_27 : vector<2048x768xf32>
    %mul3A_29 = arith.mulf %sub3A_28, %sub3A_28 : vector<2048x768xf32>
    %reduce_sum3A_30 = arith.constant dense<0.000000e+00> : vector<2048xf32>
    %reduce_sum3A_31 = vector.multi_reduction <add>, %mul3A_29, %reduce_sum3A_30 [1] : vector<2048x768xf32> to vector<2048xf32>
    %broadcast_in_dim3A_32 = vector.shape_cast %reduce_sum3A_31 : vector<2048xf32> to vector<2048x1xf32>
    %div3A_33 = arith.constant 7.680000e+02 : f32
    %div3A_34 = vector.broadcast %div3A_33 : f32 to vector<2048x1xf32>
    %div3A_35 = arith.divf %broadcast_in_dim3A_32, %div3A_34 : vector<2048x1xf32>
    %add3A_36 = arith.constant 9.99999996E-13 : f32
    %add3A_37 = vector.broadcast %add3A_36 : f32 to vector<2048x1xf32>
    %add3A_38 = arith.addf %div3A_35, %add3A_37 : vector<2048x1xf32>
    %rsqrt3A = math.rsqrt %add3A_38 : vector<2048x1xf32>
    %mul3A_39 = vector.broadcast %rsqrt3A : vector<2048x1xf32> to vector<2048x768xf32>
    %mul3A_40 = arith.mulf %sub3A_28, %mul3A_39 : vector<2048x768xf32>
    %get3A_41 = arith.constant 0 : index
    %get3A_42 = vector.load %arg6[%get3A_41] : memref<768xf32, #tpu.memory_space<vmem>>, vector<768xf32>
    %broadcast_in_dim3A_43 = vector.shape_cast %get3A_42 : vector<768xf32> to vector<1x768xf32>
    %mul3A_44 = vector.broadcast %broadcast_in_dim3A_43 : vector<1x768xf32> to vector<2048x768xf32>
    %mul3A_45 = arith.mulf %mul3A_44, %mul3A_40 : vector<2048x768xf32>
    %get3A_46 = arith.constant 0 : index
    %get3A_47 = vector.load %arg7[%get3A_46] : memref<768xf32, #tpu.memory_space<vmem>>, vector<768xf32>
    %broadcast_in_dim3A_48 = vector.shape_cast %get3A_47 : vector<768xf32> to vector<1x768xf32>
    %add3A_49 = vector.broadcast %broadcast_in_dim3A_48 : vector<1x768xf32> to vector<2048x768xf32>
    %add3A_50 = arith.addf %mul3A_45, %add3A_49 : vector<2048x768xf32>
    %swap3A = arith.constant 0 : index
    %swap3A_51 = arith.constant 0 : index
    %swap3A_52 = arith.constant 0 : index
    %swap3A_53 = vector.load %arg8[%swap3A, %swap3A_51, %swap3A_52] : memref<1x2048x768xf32, #tpu.memory_space<vmem>>, vector<1x2048x768xf32>
    %swap3A_54 = vector.shape_cast %swap3A_53 : vector<1x2048x768xf32> to vector<2048x768xf32>
    %swap3A_55 = vector.shape_cast %add3A_50 : vector<2048x768xf32> to vector<1x2048x768xf32>
    tpu.vector_store %arg8[%swap3A, %swap3A_51, %swap3A_52], %swap3A_55 {strides = array<i32>} : memref<1x2048x768xf32, #tpu.memory_space<vmem>>, vector<1x2048x768xf32>,
    return
  }
  func.func @transform_0(%arg0: i32, %arg1: i32) -> (i32, i32, i32) {
    %c0_i32 = arith.constant 0 : i32
    %c0_i32_0 = arith.constant 0 : i32
    return %arg1, %arg0, %c0_i32 : i32, i32, i32
  }
  func.func @transform_1(%arg0: i32, %arg1: i32) -> (i32, i32) {
    %c0_i32 = arith.constant 0 : i32
    %c0_i32_0 = arith.constant 0 : i32
    return %arg0, %c0_i32 : i32, i32
  }
  func.func @transform_2(%arg0: i32, %arg1: i32) -> (i32, i32) {
    %c0_i32 = arith.constant 0 : i32
    %c0_i32_0 = arith.constant 0 : i32
    return %c0_i32, %arg0 : i32, i32
  }
  func.func @transform_3(%arg0: i32, %arg1: i32) -> (i32, i32) {
    %c0_i32 = arith.constant 0 : i32
    %c0_i32_0 = arith.constant 0 : i32
    %c0_i32_1 = arith.constant 0 : i32
    return %c0_i32, %c0_i32_0 : i32, i32
  }
  func.func @transform_4(%arg0: i32, %arg1: i32) -> i32 {
    %c0_i32 = arith.constant 0 : i32
    %c0_i32_0 = arith.constant 0 : i32
    return %c0_i32 : i32
  }
  func.func @transform_5(%arg0: i32, %arg1: i32) -> i32 {
    %c0_i32 = arith.constant 0 : i32
    %c0_i32_0 = arith.constant 0 : i32
    return %c0_i32 : i32
  }
  func.func @transform_6(%arg0: i32, %arg1: i32) -> (i32, i32, i32) {
    %c0_i32 = arith.constant 0 : i32
    %c0_i32_0 = arith.constant 0 : i32
    return %arg1, %arg0, %c0_i32 : i32, i32, i32
  }
}

</mosaic_0001>

<sc_bundles>
// kernel: kernel.4.cloned.1.call-start
scs
__scs_entry_jumppad:
0x0: {  	(pc) =	sbr.rel $0x88, $3  }
0x1: {  	(tag) =	ssettag $0x0;
	lr =	simm.s32 $0x1  }
0x2: {  	[smem:$0x3F9A] =	sst lr;
	_ =	strace $0xD0000000  }
0x3: {  	_ = 	snop  }
0x4: {  	_ = 	snop  }
0x5: {  	_ = 	snop  }
0x6: {  	_ = 	snop  }
0x7: {  	_ = 	snop  }
__scs_overlays_trampoline_lowered:
0x8: {  	[smem:$0x3FA9] =	sst s0  }
0x9: {  	[smem:$0x3FAA] =	sst s1  }
0xa: {  	[smem:$0x3FAB] =	sst s2  }
0xb: {  	[smem:$0x3FAC] =	sst s3  }
0xc: {  	[smem:$0x3FAD] =	sst s4  }
0xd: {  	[smem:$0x3FAE] =	sst s5  }
0xe: {  	[smem:$0x3FAF] =	sst s6  }
0xf: {  	[smem:$0x3FB0] =	sst s7  }
0x10: {  	[smem:$0x3FB1] =	sst s8  }
0x11: {  	[smem:$0x3FB2] =	sst s9;
	s0 =	simm.s32 @!p0 $0x0  }
0x12: {  	s1 =	sld [smem:$0x3F98];
	s0 =	simm.s32 @p0 $0x1  }
0x13: {  	[smem:$0x3FB3] =	sst s0;
	s0 =	simm.s32 @!p1 $0x0  }
0x14: {  	s2 =	sld [smem:$0x3F97];
	s0 =	simm.s32 @p1 $0x1  }
0x15: {  	[smem:$0x3FB4] =	sst s0;
	s0 =	simm.s32 @!p2 $0x0  }
0x16: {  	s3 =	sld [smem:$0x3FDB];
	s0 =	simm.s32 @p2 $0x1  }
0x17: {  	s4 =	simm.s32 $0x1BF5;
	[smem:$0x3FB6] =	sst s0  }
0x18: {  	s0 =	sld [smem:$0x3F99];
	_ =	swait.ge [sflag:s4], $0x0  }
0x19: {  	s7 =	sld [smem:$0x3F9A]  }
0x1a: {  	s8 =	sadd.s32 $0xFFFFE003, lr  }
0x1b: {  	s9 =	sadd.s32 $0xFFFFFEF7, lr;
	s5 =	simm.s32 $0xFFFFFFFF;
	p2 =	slt.u32 s8, $0xFFFFF086  }
0x1c: {  	p1 =	slt.u32 s9, $0xF7A;
	s5 =	simm.s32 @!p2 $0x0  }
0x1d: {  	s5 =	simm.s32 @p1 $0x1;
	p0 =	seq.s32 s7, s2  }
0x1e: {  	s7 =	smul.u32 @!p0 $0xF7A, s2;
	p2 =	seq.s32 @!p0 s5, $0x0  }
0x1f: {  	s9 =	smul.u32 $0xF7A, s1;
	s8 =	simm.s32 @!p0 $0x1BF5;
	p2 =	por !p2, p0  }
0x20: {  	[sflag:s8] =	ssyncset.s32 @!p0 $0xFFFFF086;
	s6 =	sadd.s32 @!p0 s3, s7;
	s7 =	simm.s32 @!p0 $0x108  }
0x21: {  	s3 =	sadd.s32 s3, s9;
	s6 =	sadd.s32 @!p0 $0x88, s6;
	s7 =	simm.s32 @p2 $0x1082  }
0x22: {  	[simem:s7], [sflag:s8] =	dma.local @!p0 [hbm:s6], $0xF7A  }
0x23: {  	s9 =	sor.u32 $0xD0000000, s2;
	s6 =	simm.s32 $0x108;
	_ =	swait.ge @!p0 [sflag:s8], $0x0  }
0x24: {  	s3 =	sadd.s32 $0x88, s3;
	s6 =	simm.s32 @!p1 $0x1082;
	[sflag:s4] =	ssyncset.s32 $0xFFFFF086  }
0x25: {  	[simem:s6], [sflag:s4] =	dma.local [hbm:s3], $0xF7A  }
0x26: {  	[smem:$0x3F9A] =	sst s1;
	(tag) =	ssettag s2;
	_ =	strace s9  }
0x27: {  	s1 =	sld [smem:$0x3FAA]  }
0x28: {  	s2 =	sld [smem:$0x3FAB]  }
0x29: {  	s4 =	sld [smem:$0x3FAD]  }
0x2a: {  	p0 =	seq.s32 s5, $0x0;
	s5 =	sld [smem:$0x3FAE]  }
0x2b: {  	s6 =	sld [smem:$0x3FAF]  }
0x2c: {  	s7 =	sld [smem:$0x3FB0]  }
0x2d: {  	s3 =	simm.s32 $0x108;
	s8 =	sld [smem:$0x3FB1]  }
0x2e: {  	s3 =	simm.s32 @!p0 $0x1082;
	s9 =	sld [smem:$0x3FB2]  }
0x2f: {  	lr =	sadd.s32 s0, s3;
	s0 =	sld [smem:$0x3FA9]  }
0x30: {  	s3 =	sld [smem:$0x3FAC]  }
0x31: {  	[smem:$0x3FB5] =	sst s10  }
0x32: {  	s10 =	sld [smem:$0x3FB3];
	_ =	sdelay $0x3  }
0x33: {  	p0 =	seq.s32 s10, $0x1;
	s10 =	sld [smem:$0x3FB5];
	_ =	sdelay $0x3  }
0x34: {  	[smem:$0x3FB5] =	sst s10  }
0x35: {  	s10 =	sld [smem:$0x3FB4];
	_ =	sdelay $0x3  }
0x36: {  	p1 =	seq.s32 s10, $0x1;
	s10 =	sld [smem:$0x3FB5];
	_ =	sdelay $0x3  }
0x37: {  	[smem:$0x3FB5] =	sst s10  }
0x38: {  	s10 =	sld [smem:$0x3FB6]  }
0x39: {  	_ = 	snop;
	(pc) =	sbr.ind lr, $3  }
0x3a: {  	_ = 	snop  }
0x3b: {  	_ = 	snop  }
0x3c: {  	p2 =	seq.s32 s10, $0x1;
	s10 =	sld [smem:$0x3FB5]  }
0x3d: {  	_ =	shalt  }
0x3e: {  	_ =	shalt  }
0x3f: {  	_ =	shalt  }
0x40: {  	_ =	shalt  }
0x41: {  	_ =	shalt  }
0x42: {  	_ =	shalt  }
0x43: {  	_ =	shalt  }
0x44: {  	_ =	shalt  }
0x45: {  	_ =	shalt  }
0x46: {  	_ =	shalt  }
0x47: {  	_ =	shalt  }
0x48: {  	_ =	shalt  }
0x49: {  	_ =	shalt  }
0x4a: {  	_ =	shalt  }
0x4b: {  	_ =	shalt  }
0x4c: {  	_ =	shalt  }
0x4d: {  	_ =	shalt  }
0x4e: {  	_ =	shalt  }
0x4f: {  	_ =	shalt  }
0x50: {  	_ =	shalt  }
0x51: {  	_ =	shalt  }
0x52: {  	_ =	shalt  }
0x53: {  	_ =	shalt  }
0x54: {  	_ =	shalt  }
0x55: {  	_ =	shalt  }
0x56: {  	_ =	shalt  }
0x57: {  	_ =	shalt  }
0x58: {  	_ =	shalt  }
0x59: {  	_ =	shalt  }
0x5a: {  	_ =	shalt  }
0x5b: {  	_ =	shalt  }
0x5c: {  	_ =	shalt  }
0x5d: {  	_ =	shalt  }
0x5e: {  	_ =	shalt  }
0x5f: {  	_ =	shalt  }
0x60: {  	_ =	shalt  }
0x61: {  	_ =	shalt  }
0x62: {  	_ =	shalt  }
0x63: {  	_ =	shalt  }
0x64: {  	_ =	shalt  }
0x65: {  	_ =	shalt  }
0x66: {  	_ =	shalt  }
0x67: {  	_ =	shalt  }
0x68: {  	_ =	shalt  }
0x69: {  	_ =	shalt  }
0x6a: {  	_ =	shalt  }
0x6b: {  	_ =	shalt  }
0x6c: {  	_ =	shalt  }
0x6d: {  	_ =	shalt  }
0x6e: {  	_ =	shalt  }
0x6f: {  	_ =	shalt  }
0x70: {  	_ =	shalt  }
0x71: {  	_ =	shalt  }
0x72: {  	_ =	shalt  }
0x73: {  	_ =	shalt  }
0x74: {  	_ =	shalt  }
0x75: {  	_ =	shalt  }
0x76: {  	_ =	shalt  }
0x77: {  	_ =	shalt  }
0x78: {  	_ =	shalt  }
0x79: {  	_ =	shalt  }
0x7a: {  	_ =	shalt  }
0x7b: {  	_ =	shalt  }
0x7c: {  	_ =	shalt  }
0x7d: {  	_ =	shalt  }
0x7e: {  	_ =	shalt  }
0x7f: {  	_ =	shalt  }
0x80: {  	_ =	shalt  }
0x81: {  	_ =	shalt  }
0x82: {  	_ =	shalt  }
0x83: {  	_ =	shalt  }
0x84: {  	_ =	shalt  }
0x85: {  	_ =	shalt  }
0x86: {  	_ =	shalt  }
0x87: {  	_ =	shalt  }
.Lfunc_end0:
.L_simem_size_0:
called_computation_lowered:
.L_overlay_start_0:
0x88: {  	s2 =	sld [smem:$0x3FD9]  }
0x89: {  	s3 =	sld [smem:$0x3FFE];
	_ =	sdelay $0x1  }
0x8a: {  	s1 =	srdreg.scid  }
0x8b: {  	s0 =	sand.u32 $0x1, s1  }
0x8c: {  	s15 =	sshll.u32 s0, $0xA;
	s2 =	sadd.s32 s3, s2  }
0x8d: {  	s2 =	sadd.s32 s2, s15  }
0x8e: {  	[smem:$0x3FC1] =	sst s2  }
0x8f: {  	_ = 	snop  }
0x90: {  	s2 =	sld [smem:$0x3FD0];
	_ =	sdelay $0x1  }
0x91: {  	s16 =	sld [smem:$0x3FC9]  }
0x92: {  	s5 =	simm.s32 $0xA;
	s6 =	simm.s32 $0x10;
	s4 =	sld [smem:$0x3FC7]  }
0x93: {  	[smem:s6], [sflag:s5] =	dma.local [hbm:s2], $0x1  }
0x94: {  	_ =	swait.eq [sflag:s5], $0x1  }
0x95: {  	[sflag:s5] =	ssyncset.done $0x0  }
0x96: {  	[sflag:s5] =	ssyncadd.s32 $0xFFFFFFFF  }
0x97: {  	s17 =	sld [smem:$0x11];
	(tm) =	ssettm $0x1  }
0x98: {  	s18 =	sld [smem:$0x3FFB];
	_ =	sdelay $0x3  }
0x99: {  	_ =	strace s18  }
0x9a: {  	s5 =	sld [smem:$0x3FFC];
	_ =	sdelay $0x3  }
0x9b: {  	_ =	strace s5  }
0x9c: {  	s5 =	sld [smem:$0x3FFD];
	_ =	sdelay $0x3  }
0x9d: {  	_ =	strace s5  }
0x9e: {  	_ =	strace $0x8FFFFFFF  }
0x9f: {  	s19 =	sld [smem:$0x3FDB];
	_ =	sdelay $0x1  }
0xa0: {  	s20 =	simm.s32 $_scs_section_size  }
0xa1: {  	s7 =	simm.s32 $_size__tile_overlayer_lowered;
	s8 =	simm.s32 $_tile_overlayer_lowered  }
0xa2: {  	s23 =	simm.s32 $0x1BFF;
	s22 =	sshll.u32 s8, $0x1;
	s5 =	sadd.s32 s20, s19  }
0xa3: {  	s9 =	simm.s32 $0x0;
	s21 =	sshll.u32 s7, $0x1;
	s7 =	sadd.s32 s22, s5  }
0xa4: {  	[timem:s9], [sflag:s23] =	dma.local [hbm:s7], s21  }
0xa5: {  	_ =	swait.ge [sflag:s23], s21  }
0xa6: {  	s6 =	ssub.s32 $0x0, s21;
	[sflag:s23] =	ssyncset.done $0x0  }
0xa7: {  	[sflag:s23] =	ssyncadd.s32 s6;
	_ =	sdelay $0x1  }
0xa8: {  	s24 =	simm.s32 $0x1B8B  }
0xa9: {  	_ =	swait.ge [sflag:s24], $0x1  }
0xaa: {  	[sflag:s24] =	ssyncset.done $0x0  }
0xab: {  	s25 =	simm.s32 $0x1B8E;
	[sflag:s24] =	ssyncadd.s32 $0xFFFFFFFF  }
0xac: {  	s26 =	simm.s32 $execute0_lowered;
	[smem:$0x3FD2] =	sst s25  }
0xad: {  	s6 =	sshll.u32 s26, $0x1;
	_ =	strace $0x80000046;
	[dreg:$0x1] =	wrdreg $0xFFFFFFFF  }
0xae: {  	s28 =	simm.s32 $_size_execute0_lowered;
	s5 =	sadd.s32 s5, s6;
	[dreg:$0x0] =	wrdreg $0x0  }
0xaf: {  	s6 =	sshll.u32 s28, $0x1;
	[dreg:$0x2] =	wrdreg s5  }
0xb0: {  	[dreg:$0x3] =	wrdreg s6  }
0xb1: {  	[dreg:$0x4] =	wrdreg $0xC0  }
0xb2: {  	_ =	task [dreg:s9], $0x5FFFF  }
0xb3: {  	[dreg:$0x1] =	wrdreg $0xFFFFFFFF  }
0xb4: {  	[dreg:$0x0] =	wrdreg $0x60  }
0xb5: {  	[dreg:$0x2] =	wrdreg s4  }
0xb6: {  	[dreg:$0x3] =	wrdreg s16  }
0xb7: {  	[dreg:$0x4] =	wrdreg s17  }
0xb8: {  	[dreg:$0x5] =	wrdreg $0x9  }
0xb9: {  	_ =	task.clear_ibuf [dreg:s9], $0x6FFFF;
	_ =	strace $0x90000046  }
0xba: {  	s29 =	simm.s32 $0x9;
	_ =	strace $0x80000048  }
0xbb: {  	_ =	swait.ge [sflag:s29], $0x1  }
0xbc: {  	[sflag:s29] =	ssyncadd.s32 $0xFFFFFFFF  }
0xbd: {  	_ =	strace $0x90000048  }
0xbe: {  	_ =	sfence  }
0xbf: {  	s30 =	sld [smem:$0x0];
	_ =	sdelay $0x2  }
0xc0: {  	s31 =	sshll.u32 s1, $0xD;
	s1 =	sshrl.u32 s1, $0x2  }
0xc1: {  	s3 =	sand.u32 $0x4000, s31;
	s1 =	sadd.s32 s1, s30  }
0xc2: {  	s0 =	sor.u32 s3, s0;
	s1 =	sshll.u32 s1, $0x11  }
0xc3: {  	s0 =	sor.u32 s1, s0  }
0xc4: {  	s0 =	sadd.s32 $0x8F2B, s0  }
0xc5: {  	[sflag:s0] =	ssyncadd.remote.s32 $0x1  }
0xc6: {  	_ =	sfence.sel $0xFFFF  }
0xc7: {  	[dreg:$0x0] =	wrdreg $0xFFFFFFFF;
	(pc) =	sbr.abs _section_cstart, $3  }
0xc8: {  	[dreg:$0x1] =	wrdreg $0xFFFFFFFF  }
0xc9: {  	_ =	task.clear_ibuf [dreg:s9], $0x2FFFF;
	_ =	strace $0x9FFFFFFF  }
0xca: {  	(tm) =	ssettm $0x7FFFFFFF  }
0xcb: {  	_ =	shalt  }
tec
execute0_lowered:
.L_overlay_start_1:
0x0: {  	(tag) =	ssettag $0x1  }
0x1: {  	s1 =	rddreg [dreg:$0x0]  }
0x2: {  	s3 =	stileid.u32;
	s5 =	rddreg [dreg:$0x1]  }
0x3: {  	s0 =	srdreg.scid;
	s7 =	rddreg [dreg:$0x2];
	s25 =	simm.s32 $0x80  }
0x4: {  	s26 =	simm.s32 $0x200;
	s10 =	simm.s32 $0x1;
	s28 =	simm.s32 $0x4900  }
0x5: {  	s29 =	simm.s32 $0x5100;
	s30 =	simm.s32 $0x5900;
	s11 =	simm.s32 $0x6100  }
0x6: {  	s31 =	simm.s32 $0x6900;
	s12 =	simm.s32 $0x8100;
	s13 =	simm.s32 $0x9100  }
0x7: {  	s14 =	simm.s32 $0x9900;
	s9 =	simm.s32 $0xA900;
	s2 =	sshll.u32 s3, $0x1  }
0x8: {  	s0 =	sand.u32 $0x1, s0;
	s4 =	sshrl.u32 s3, $0x2;
	s3 =	simm.s32 $0x0  }
0x9: {  	s2 =	sand.u32 $0x6, s2;
	s6 =	smul.u32 $0x180000, s4;
	s4 =	sshll.u32 s4, $0x4  }
0xa: {  	[smem:$0x7FF] =	sst s3;
	s2 =	sor.u32 s0, s2;
	s4 =	sadd.s32 s5, s4  }
0xb: {  	_ =	strace $0x80000047;
	[dreg:$0xc] =	wrdreg s25;
	s8 =	smul.u32 $0x30000, s2  }
0xc: {  	s0 =	ssub.s32 $0x2, s0;
	s5 =	sadd.s32 $0x100, s1;
	[dreg:$0xd] =	wrdreg s26  }
0xd: {  	s25 =	simm.s32 $0x3900;
	s2 =	sshll.u32 s2, $0x7;
	s6 =	sadd.s32 s6, s8  }
0xe: {  	s26 =	simm.s32 $0x4100;
	s2 =	sadd.s32 s2, s4;
	s15 =	sshrl.u32 s6, $0x3  }
0xf: {  	s23 =	sshrl.u32 s0, $0x1;
	[dreg:$0x4] =	wrdreg s2;
	s16 =	sadd.s32 s7, s15  }
0x10: {  	s0 =	ssub.s32 s0, s23;
	s17 =	sadd.s32 $0xC00, s16;
	[dreg:$0xe] =	wrdreg s16  }
0x11: {  	s23 =	simm.s32 $0x3100;
	s18 =	sadd.s32 $0x1800, s16;
	[dreg:$0x5] =	wrdreg s17  }
0x12: {  	s8 =	simm.s32 $0xA100;
	s19 =	sadd.s32 $0x2400, s16;
	[dreg:$0x6] =	wrdreg s18  }
0x13: {  	s2 =	simm.s32 $0xC100;
	s20 =	sadd.s32 $0x3000, s16;
	[dreg:$0x7] =	wrdreg s19  }
0x14: {  	s6 =	sadd.s32 $0x200, s1;
	s21 =	sadd.s32 $0x3C00, s16;
	[dreg:$0x8] =	wrdreg s20  }
0x15: {  	s7 =	smax.u32 s0, $0x1;
	s22 =	sadd.s32 $0x4800, s16;
	[dreg:$0x9] =	wrdreg s21  }
0x16: {  	v2 =	vlaneseq.u32;
	s15 =	simm.s32 $0x2;
	s24 =	sadd.s32 $0x5400, s16;
	[dreg:$0xa] =	wrdreg s22  }
0x17: {  	vm0 =	vmmov $0xffff;
	v1 =	vshrl.u32 v2, $0x3;
	[dreg:$0xb] =	wrdreg s24;
	s21 =	simm.s32 $0x100;
	s19 =	simm.s32 $0x1900  }
0x18: {  	v0 =	vand.u32 $0x7, v2;
	v2 =	vor.u32 $0x8, v2;
	v1 =	vmul.u32 $0x8, v1;
	s20 =	simm.s32 $0x2100;
	s22 =	simm.s32 $0x2900;
	s24 =	simm.s32 $0xB100  }
.LBB2_1:
0x19: {  	s16 =	rddreg [dreg:$0x4]  }
0x1a: {  	s17 =	rddreg [dreg:$0xc]  }
0x1b: {  	s18 =	rddreg [dreg:$0xd];
	s0 =	simm.s32 $0x3  }
0x1c: {  	[tilespmem:s3], [sflag:$0x3] =	stream.strided.gather [hbm4b:s16+s17], $0x100, s18, s17, $0x38;
	[tilespmem:$0x18100] =	vst v63  }
0x1d: {  	_ =	swait.ge [sflag:s0], $0x100  }
0x1e: {  	[sflag:s0] =	ssyncset.done $0x0  }
0x1f: {  	[sflag:s0] =	ssyncadd.s32 $0xFFFFFF00  }
0x20: {  	v3 =	vld [tilespmem:$0x0];
	_ =	sdelay $0x4  }
0x21: {  	v4 =	vshrl.u32 v3, $0x3  }
0x22: {  	v4 =	vmul.u32 $0x30, v4  }
0x23: {  	v3 =	vand.u32 $0x7, v3  }
0x24: {  	v3 =	vor.u32 v3, v4  }
0x25: {  	v4 =	vperm.xlane v3, v0;
	_ =	sdelay $0x1  }
0x26: {  	v4 =	vadd.s32 v1, v4;
	_ =	sdelay $0x3  }
0x27: {  	v3 =	vperm.xlane v3, v2  }
0x28: {  	[tilespmem:s21], [sflag:$0x1] =	stream.indirect_vreg.gather [hbm4b:s1+s3], $0x80, v4, vm0, $0xb8;
	[tilespmem:$0x18100] =	vst v63  }
0x29: {  	s17 =	simm.s32 $0x900;
	v3 =	vadd.s32 v1, v3  }
0x2a: {  	[tilespmem:s17], [sflag:$0x1] =	stream.indirect_vreg.gather [hbm4b:s5+s3], $0x80, v4, vm0, $0xb8;
	[tilespmem:$0x18100] =	vst v63  }
0x2b: {  	s18 =	simm.s32 $0x1100  }
0x2c: {  	[tilespmem:s18], [sflag:$0x1] =	stream.indirect_vreg.gather [hbm4b:s6+s3], $0x80, v4, vm0, $0xb8;
	[tilespmem:$0x18100] =	vst v63  }
0x2d: {  	_ = 	snop  }
0x2e: {  	[tilespmem:s19], [sflag:$0x1] =	stream.indirect_vreg.gather [hbm4b:s1+s3], $0x80, v3, vm0, $0xb8;
	[tilespmem:$0x18100] =	vst v63  }
0x2f: {  	_ = 	snop  }
0x30: {  	[tilespmem:s20], [sflag:$0x1] =	stream.indirect_vreg.gather [hbm4b:s5+s3], $0x80, v3, vm0, $0xb8;
	[tilespmem:$0x18100] =	vst v63  }
0x31: {  	_ = 	snop  }
0x32: {  	[tilespmem:s22], [sflag:$0x1] =	stream.indirect_vreg.gather [hbm4b:s6+s3], $0x80, v3, vm0, $0xb8;
	[tilespmem:$0x18100] =	vst v63  }
0x33: {  	v3 =	vld [tilespmem:$0x10];
	_ =	sdelay $0x4  }
0x34: {  	v49 =	vshrl.u32 v3, $0x3  }
0x35: {  	v4 =	vmul.u32 $0x30, v49  }
0x36: {  	v3 =	vand.u32 $0x7, v3  }
0x37: {  	v3 =	vor.u32 v3, v4  }
0x38: {  	v4 =	vperm.xlane v3, v0;
	_ =	sdelay $0x1  }
0x39: {  	v4 =	vadd.s32 v1, v4;
	_ =	sdelay $0x3  }
0x3a: {  	v3 =	vperm.xlane v3, v2  }
0x3b: {  	[tilespmem:s23], [sflag:$0x1] =	stream.indirect_vreg.gather [hbm4b:s1+s3], $0x80, v4, vm0, $0xb8;
	[tilespmem:$0x18100] =	vst v63  }
0x3c: {  	v3 =	vadd.s32 v1, v3  }
0x3d: {  	[tilespmem:s25], [sflag:$0x1] =	stream.indirect_vreg.gather [hbm4b:s5+s3], $0x80, v4, vm0, $0xb8;
	[tilespmem:$0x18100] =	vst v63  }
0x3e: {  	_ = 	snop  }
0x3f: {  	[tilespmem:s26], [sflag:$0x1] =	stream.indirect_vreg.gather [hbm4b:s6+s3], $0x80, v4, vm0, $0xb8;
	[tilespmem:$0x18100] =	vst v63  }
0x40: {  	_ = 	snop  }
0x41: {  	[tilespmem:s28], [sflag:$0x1] =	stream.indirect_vreg.gather [hbm4b:s1+s3], $0x80, v3, vm0, $0xb8;
	[tilespmem:$0x18100] =	vst v63  }
0x42: {  	_ = 	snop  }
0x43: {  	[tilespmem:s29], [sflag:$0x1] =	stream.indirect_vreg.gather [hbm4b:s5+s3], $0x80, v3, vm0, $0xb8;
	[tilespmem:$0x18100] =	vst v63  }
0x44: {  	_ = 	snop  }
0x45: {  	[tilespmem:s30], [sflag:$0x1] =	stream.indirect_vreg.gather [hbm4b:s6+s3], $0x80, v3, vm0, $0xb8;
	[tilespmem:$0x18100] =	vst v63  }
0x46: {  	v3 =	vld [tilespmem:$0x20];
	_ =	sdelay $0x4  }
0x47: {  	v50 =	vshrl.u32 v3, $0x3  }
0x48: {  	v4 =	vmul.u32 $0x30, v50  }
0x49: {  	v3 =	vand.u32 $0x7, v3  }
0x4a: {  	v3 =	vor.u32 v3, v4  }
0x4b: {  	v4 =	vperm.xlane v3, v0;
	_ =	sdelay $0x1  }
0x4c: {  	v4 =	vadd.s32 v1, v4;
	_ =	sdelay $0x3  }
0x4d: {  	v3 =	vperm.xlane v3, v2  }
0x4e: {  	[tilespmem:s11], [sflag:$0x1] =	stream.indirect_vreg.gather [hbm4b:s1+s3], $0x80, v4, vm0, $0xb8;
	[tilespmem:$0x18100] =	vst v63  }
0x4f: {  	v3 =	vadd.s32 v1, v3  }
0x50: {  	[tilespmem:s31], [sflag:$0x1] =	stream.indirect_vreg.gather [hbm4b:s5+s3], $0x80, v4, vm0, $0xb8;
	[tilespmem:$0x18100] =	vst v63  }
0x51: {  	s16 =	simm.s32 $0x7100  }
0x52: {  	[tilespmem:s16], [sflag:$0x1] =	stream.indirect_vreg.gather [hbm4b:s6+s3], $0x80, v4, vm0, $0xb8;
	[tilespmem:$0x18100] =	vst v63  }
0x53: {  	s4 =	simm.s32 $0x7900  }
0x54: {  	[tilespmem:s4], [sflag:$0x1] =	stream.indirect_vreg.gather [hbm4b:s1+s3], $0x80, v3, vm0, $0xb8;
	[tilespmem:$0x18100] =	vst v63  }
0x55: {  	_ = 	snop  }
0x56: {  	[tilespmem:s12], [sflag:$0x1] =	stream.indirect_vreg.gather [hbm4b:s5+s3], $0x80, v3, vm0, $0xb8;
	[tilespmem:$0x18100] =	vst v63  }
0x57: {  	s16 =	simm.s32 $0x8900  }
0x58: {  	[tilespmem:s16], [sflag:$0x1] =	stream.indirect_vreg.gather [hbm4b:s6+s3], $0x80, v3, vm0, $0xb8;
	[tilespmem:$0x18100] =	vst v63  }
0x59: {  	v3 =	vld [tilespmem:$0x30];
	_ =	sdelay $0x4  }
0x5a: {  	v51 =	vshrl.u32 v3, $0x3  }
0x5b: {  	v4 =	vmul.u32 $0x30, v51  }
0x5c: {  	v3 =	vand.u32 $0x7, v3  }
0x5d: {  	v3 =	vor.u32 v3, v4  }
0x5e: {  	v4 =	vperm.xlane v3, v0;
	_ =	sdelay $0x1  }
0x5f: {  	v4 =	vadd.s32 v1, v4;
	_ =	sdelay $0x3  }
0x60: {  	v3 =	vperm.xlane v3, v2  }
0x61: {  	[tilespmem:s13], [sflag:$0x1] =	stream.indirect_vreg.gather [hbm4b:s1+s3], $0x80, v4, vm0, $0xb8;
	[tilespmem:$0x18100] =	vst v63  }
0x62: {  	v3 =	vadd.s32 v1, v3  }
0x63: {  	[tilespmem:s14], [sflag:$0x1] =	stream.indirect_vreg.gather [hbm4b:s5+s3], $0x80, v4, vm0, $0xb8;
	[tilespmem:$0x18100] =	vst v63  }
0x64: {  	_ = 	snop  }
0x65: {  	[tilespmem:s8], [sflag:$0x1] =	stream.indirect_vreg.gather [hbm4b:s6+s3], $0x80, v4, vm0, $0xb8;
	[tilespmem:$0x18100] =	vst v63  }
0x66: {  	_ = 	snop  }
0x67: {  	[tilespmem:s9], [sflag:$0x1] =	stream.indirect_vreg.gather [hbm4b:s1+s3], $0x80, v3, vm0, $0xb8;
	[tilespmem:$0x18100] =	vst v63  }
0x68: {  	_ = 	snop  }
0x69: {  	[tilespmem:s24], [sflag:$0x1] =	stream.indirect_vreg.gather [hbm4b:s5+s3], $0x80, v3, vm0, $0xb8;
	[tilespmem:$0x18100] =	vst v63  }
0x6a: {  	s4 =	simm.s32 $0xB900  }
0x6b: {  	[tilespmem:s4], [sflag:$0x1] =	stream.indirect_vreg.gather [hbm4b:s6+s3], $0x80, v3, vm0, $0xb8;
	[tilespmem:$0x18100] =	vst v63  }
0x6c: {  	_ =	swait.ge [sflag:s10], $0x6000  }
0x6d: {  	[sflag:s10] =	ssyncset.done $0x0  }
0x6e: {  	[sflag:s10] =	ssyncadd.s32 $0xFFFFA000  }
0x6f: {  	v3 =	vld [tilespmem:$0x40];
	_ =	sdelay $0x4  }
0x70: {  	v52 =	vshrl.u32 v3, $0x3  }
0x71: {  	v4 =	vmul.u32 $0x30, v52  }
0x72: {  	v3 =	vand.u32 $0x7, v3  }
0x73: {  	v3 =	vor.u32 v3, v4  }
0x74: {  	v4 =	vperm.xlane v3, v0;
	_ =	sdelay $0x1  }
0x75: {  	v4 =	vadd.s32 v1, v4;
	_ =	sdelay $0x3  }
0x76: {  	v3 =	vperm.xlane v3, v2  }
0x77: {  	[tilespmem:s2], [sflag:$0x1] =	stream.indirect_vreg.gather [hbm4b:s1+s3], $0x80, v4, vm0, $0xb8;
	[tilespmem:$0x18100] =	vst v63  }
0x78: {  	s16 =	simm.s32 $0xC900;
	v3 =	vadd.s32 v1, v3  }
0x79: {  	[tilespmem:s16], [sflag:$0x1] =	stream.indirect_vreg.gather [hbm4b:s5+s3], $0x80, v4, vm0, $0xb8;
	[tilespmem:$0x18100] =	vst v63  }
0x7a: {  	s4 =	simm.s32 $0xD100  }
0x7b: {  	[tilespmem:s4], [sflag:$0x1] =	stream.indirect_vreg.gather [hbm4b:s6+s3], $0x80, v4, vm0, $0xb8;
	[tilespmem:$0x18100] =	vst v63  }
0x7c: {  	s16 =	simm.s32 $0xD900  }
0x7d: {  	[tilespmem:s16], [sflag:$0x1] =	stream.indirect_vreg.gather [hbm4b:s1+s3], $0x80, v3, vm0, $0xb8;
	[tilespmem:$0x18100] =	vst v63  }
0x7e: {  	s4 =	simm.s32 $0xE100  }
0x7f: {  	[tilespmem:s4], [sflag:$0x1] =	stream.indirect_vreg.gather [hbm4b:s5+s3], $0x80, v3, vm0, $0xb8;
	[tilespmem:$0x18100] =	vst v63  }
0x80: {  	s16 =	simm.s32 $0xE900  }
0x81: {  	[tilespmem:s16], [sflag:$0x1] =	stream.indirect_vreg.gather [hbm4b:s6+s3], $0x80, v3, vm0, $0xb8;
	[tilespmem:$0x18100] =	vst v63  }
0x82: {  	v3 =	vld [tilespmem:$0x50];
	_ =	sdelay $0x4  }
0x83: {  	v53 =	vshrl.u32 v3, $0x3  }
0x84: {  	v4 =	vmul.u32 $0x30, v53  }
0x85: {  	v3 =	vand.u32 $0x7, v3  }
0x86: {  	v3 =	vor.u32 v3, v4  }
0x87: {  	v4 =	vperm.xlane v3, v0;
	_ =	sdelay $0x1  }
0x88: {  	v4 =	vadd.s32 v1, v4;
	_ =	sdelay $0x3  }
0x89: {  	s4 =	simm.s32 $0xF100;
	v3 =	vperm.xlane v3, v2  }
0x8a: {  	[tilespmem:s4], [sflag:$0x1] =	stream.indirect_vreg.gather [hbm4b:s1+s3], $0x80, v4, vm0, $0xb8;
	[tilespmem:$0x18100] =	vst v63  }
0x8b: {  	s16 =	simm.s32 $0xF900;
	v3 =	vadd.s32 v1, v3  }
0x8c: {  	[tilespmem:s16], [sflag:$0x1] =	stream.indirect_vreg.gather [hbm4b:s5+s3], $0x80, v4, vm0, $0xb8;
	[tilespmem:$0x18100] =	vst v63  }
0x8d: {  	s4 =	simm.s32 $0x10100  }
0x8e: {  	[tilespmem:s4], [sflag:$0x1] =	stream.indirect_vreg.gather [hbm4b:s6+s3], $0x80, v4, vm0, $0xb8;
	[tilespmem:$0x18100] =	vst v63  }
0x8f: {  	s16 =	simm.s32 $0x10900  }
0x90: {  	[tilespmem:s16], [sflag:$0x1] =	stream.indirect_vreg.gather [hbm4b:s1+s3], $0x80, v3, vm0, $0xb8;
	[tilespmem:$0x18100] =	vst v63  }
0x91: {  	s4 =	simm.s32 $0x11100  }
0x92: {  	[tilespmem:s4], [sflag:$0x1] =	stream.indirect_vreg.gather [hbm4b:s5+s3], $0x80, v3, vm0, $0xb8;
	[tilespmem:$0x18100] =	vst v63  }
0x93: {  	s16 =	simm.s32 $0x11900  }
0x94: {  	[tilespmem:s16], [sflag:$0x1] =	stream.indirect_vreg.gather [hbm4b:s6+s3], $0x80, v3, vm0, $0xb8;
	[tilespmem:$0x18100] =	vst v63  }
0x95: {  	s0 =	rddreg [dreg:$0xe]  }
0x96: {  	[hbm4b:s0+s3] =	stream.linear.scatter [tilespmem:s21], [sflag:$0x2], $0x6000, $0x38;
	[tilespmem:$0x18100] =	vst v63  }
0x97: {  	_ =	swait.ge [sflag:s10], $0x6000  }
0x98: {  	[sflag:s10] =	ssyncset.done $0x0  }
0x99: {  	[sflag:s10] =	ssyncadd.s32 $0xFFFFA000  }
0x9a: {  	v3 =	vld [tilespmem:$0x60];
	_ =	sdelay $0x4  }
0x9b: {  	v54 =	vshrl.u32 v3, $0x3  }
0x9c: {  	v4 =	vmul.u32 $0x30, v54  }
0x9d: {  	v3 =	vand.u32 $0x7, v3  }
0x9e: {  	v3 =	vor.u32 v3, v4  }
0x9f: {  	v4 =	vperm.xlane v3, v0;
	_ =	sdelay $0x1  }
0xa0: {  	v4 =	vadd.s32 v1, v4;
	_ =	sdelay $0x3  }
0xa1: {  	s0 =	simm.s32 $0x12100;
	v3 =	vperm.xlane v3, v2  }
0xa2: {  	[tilespmem:s0], [sflag:$0x1] =	stream.indirect_vreg.gather [hbm4b:s1+s3], $0x80, v4, vm0, $0xb8;
	[tilespmem:$0x18100] =	vst v63  }
0xa3: {  	s4 =	simm.s32 $0x12900;
	v3 =	vadd.s32 v1, v3  }
0xa4: {  	[tilespmem:s4], [sflag:$0x1] =	stream.indirect_vreg.gather [hbm4b:s5+s3], $0x80, v4, vm0, $0xb8;
	[tilespmem:$0x18100] =	vst v63  }
0xa5: {  	s4 =	simm.s32 $0x13100  }
0xa6: {  	[tilespmem:s4], [sflag:$0x1] =	stream.indirect_vreg.gather [hbm4b:s6+s3], $0x80, v4, vm0, $0xb8;
	[tilespmem:$0x18100] =	vst v63  }
0xa7: {  	s4 =	simm.s32 $0x13900  }
0xa8: {  	[tilespmem:s4], [sflag:$0x1] =	stream.indirect_vreg.gather [hbm4b:s1+s3], $0x80, v3, vm0, $0xb8;
	[tilespmem:$0x18100] =	vst v63  }
0xa9: {  	s4 =	simm.s32 $0x14100  }
0xaa: {  	[tilespmem:s4], [sflag:$0x1] =	stream.indirect_vreg.gather [hbm4b:s5+s3], $0x80, v3, vm0, $0xb8;
	[tilespmem:$0x18100] =	vst v63  }
0xab: {  	s4 =	simm.s32 $0x14900  }
0xac: {  	[tilespmem:s4], [sflag:$0x1] =	stream.indirect_vreg.gather [hbm4b:s6+s3], $0x80, v3, vm0, $0xb8;
	[tilespmem:$0x18100] =	vst v63  }
0xad: {  	v3 =	vld [tilespmem:$0x70];
	_ =	sdelay $0x4  }
0xae: {  	v55 =	vshrl.u32 v3, $0x3  }
0xaf: {  	v4 =	vmul.u32 $0x30, v55  }
0xb0: {  	v3 =	vand.u32 $0x7, v3  }
0xb1: {  	v3 =	vor.u32 v3, v4  }
0xb2: {  	v4 =	vperm.xlane v3, v0;
	_ =	sdelay $0x1  }
0xb3: {  	v4 =	vadd.s32 v1, v4;
	_ =	sdelay $0x3  }
0xb4: {  	s4 =	simm.s32 $0x15100;
	v3 =	vperm.xlane v3, v2  }
0xb5: {  	[tilespmem:s4], [sflag:$0x1] =	stream.indirect_vreg.gather [hbm4b:s1+s3], $0x80, v4, vm0, $0xb8;
	[tilespmem:$0x18100] =	vst v63  }
0xb6: {  	v3 =	vadd.s32 v1, v3;
	s4 =	simm.s32 $0x15900  }
0xb7: {  	[tilespmem:s4], [sflag:$0x1] =	stream.indirect_vreg.gather [hbm4b:s5+s3], $0x80, v4, vm0, $0xb8;
	[tilespmem:$0x18100] =	vst v63  }
0xb8: {  	s4 =	simm.s32 $0x16100  }
0xb9: {  	[tilespmem:s4], [sflag:$0x1] =	stream.indirect_vreg.gather [hbm4b:s6+s3], $0x80, v4, vm0, $0xb8;
	[tilespmem:$0x18100] =	vst v63  }
0xba: {  	s4 =	simm.s32 $0x16900  }
0xbb: {  	[tilespmem:s4], [sflag:$0x1] =	stream.indirect_vreg.gather [hbm4b:s1+s3], $0x80, v3, vm0, $0xb8;
	[tilespmem:$0x18100] =	vst v63  }
0xbc: {  	s4 =	simm.s32 $0x17100  }
0xbd: {  	[tilespmem:s4], [sflag:$0x1] =	stream.indirect_vreg.gather [hbm4b:s5+s3], $0x80, v3, vm0, $0xb8;
	[tilespmem:$0x18100] =	vst v63  }
0xbe: {  	s4 =	simm.s32 $0x17900  }
0xbf: {  	[tilespmem:s4], [sflag:$0x1] =	stream.indirect_vreg.gather [hbm4b:s6+s3], $0x80, v3, vm0, $0xb8;
	[tilespmem:$0x18100] =	vst v63  }
0xc0: {  	s16 =	rddreg [dreg:$0x5]  }
0xc1: {  	[hbm4b:s16+s3] =	stream.linear.scatter [tilespmem:s11], [sflag:$0x2], $0x6000, $0x38;
	[tilespmem:$0x18100] =	vst v63  }
0xc2: {  	_ =	swait.ge [sflag:s10], $0x6000  }
0xc3: {  	[sflag:s10] =	ssyncset.done $0x0  }
0xc4: {  	[sflag:s10] =	ssyncadd.s32 $0xFFFFA000  }
0xc5: {  	_ =	swait.ge [sflag:s15], $0x6000  }
0xc6: {  	[sflag:s15] =	ssyncset.done $0x0  }
0xc7: {  	[sflag:s15] =	ssyncadd.s32 $0xFFFFA000  }
0xc8: {  	v3 =	vld [tilespmem:$0x80];
	_ =	sdelay $0x4  }
0xc9: {  	v56 =	vshrl.u32 v3, $0x3  }
0xca: {  	v4 =	vmul.u32 $0x30, v56  }
0xcb: {  	v3 =	vand.u32 $0x7, v3  }
0xcc: {  	v3 =	vor.u32 v3, v4  }
0xcd: {  	v4 =	vperm.xlane v3, v0;
	_ =	sdelay $0x1  }
0xce: {  	v4 =	vadd.s32 v1, v4;
	_ =	sdelay $0x3  }
0xcf: {  	v3 =	vperm.xlane v3, v2  }
0xd0: {  	[tilespmem:s21], [sflag:$0x1] =	stream.indirect_vreg.gather [hbm4b:s1+s3], $0x80, v4, vm0, $0xb8;
	[tilespmem:$0x18100] =	vst v63  }
0xd1: {  	v3 =	vadd.s32 v1, v3  }
0xd2: {  	[tilespmem:s17], [sflag:$0x1] =	stream.indirect_vreg.gather [hbm4b:s5+s3], $0x80, v4, vm0, $0xb8;
	[tilespmem:$0x18100] =	vst v63  }
0xd3: {  	_ = 	snop  }
0xd4: {  	[tilespmem:s18], [sflag:$0x1] =	stream.indirect_vreg.gather [hbm4b:s6+s3], $0x80, v4, vm0, $0xb8;
	[tilespmem:$0x18100] =	vst v63  }
0xd5: {  	_ = 	snop  }
0xd6: {  	[tilespmem:s19], [sflag:$0x1] =	stream.indirect_vreg.gather [hbm4b:s1+s3], $0x80, v3, vm0, $0xb8;
	[tilespmem:$0x18100] =	vst v63  }
0xd7: {  	_ = 	snop  }
0xd8: {  	[tilespmem:s20], [sflag:$0x1] =	stream.indirect_vreg.gather [hbm4b:s5+s3], $0x80, v3, vm0, $0xb8;
	[tilespmem:$0x18100] =	vst v63  }
0xd9: {  	_ = 	snop  }
0xda: {  	[tilespmem:s22], [sflag:$0x1] =	stream.indirect_vreg.gather [hbm4b:s6+s3], $0x80, v3, vm0, $0xb8;
	[tilespmem:$0x18100] =	vst v63  }
0xdb: {  	v3 =	vld [tilespmem:$0x90];
	_ =	sdelay $0x4  }
0xdc: {  	v57 =	vshrl.u32 v3, $0x3  }
0xdd: {  	v4 =	vmul.u32 $0x30, v57  }
0xde: {  	v3 =	vand.u32 $0x7, v3  }
0xdf: {  	v3 =	vor.u32 v3, v4  }
0xe0: {  	v4 =	vperm.xlane v3, v0;
	_ =	sdelay $0x1  }
0xe1: {  	v4 =	vadd.s32 v1, v4;
	_ =	sdelay $0x3  }
0xe2: {  	v3 =	vperm.xlane v3, v2  }
0xe3: {  	[tilespmem:s23], [sflag:$0x1] =	stream.indirect_vreg.gather [hbm4b:s1+s3], $0x80, v4, vm0, $0xb8;
	[tilespmem:$0x18100] =	vst v63  }
0xe4: {  	v3 =	vadd.s32 v1, v3  }
0xe5: {  	[tilespmem:s25], [sflag:$0x1] =	stream.indirect_vreg.gather [hbm4b:s5+s3], $0x80, v4, vm0, $0xb8;
	[tilespmem:$0x18100] =	vst v63  }
0xe6: {  	_ = 	snop  }
0xe7: {  	[tilespmem:s26], [sflag:$0x1] =	stream.indirect_vreg.gather [hbm4b:s6+s3], $0x80, v4, vm0, $0xb8;
	[tilespmem:$0x18100] =	vst v63  }
0xe8: {  	_ = 	snop  }
0xe9: {  	[tilespmem:s28], [sflag:$0x1] =	stream.indirect_vreg.gather [hbm4b:s1+s3], $0x80, v3, vm0, $0xb8;
	[tilespmem:$0x18100] =	vst v63  }
0xea: {  	_ = 	snop  }
0xeb: {  	[tilespmem:s29], [sflag:$0x1] =	stream.indirect_vreg.gather [hbm4b:s5+s3], $0x80, v3, vm0, $0xb8;
	[tilespmem:$0x18100] =	vst v63  }
0xec: {  	_ = 	snop  }
0xed: {  	[tilespmem:s30], [sflag:$0x1] =	stream.indirect_vreg.gather [hbm4b:s6+s3], $0x80, v3, vm0, $0xb8;
	[tilespmem:$0x18100] =	vst v63  }
0xee: {  	s4 =	rddreg [dreg:$0x6]  }
0xef: {  	[hbm4b:s4+s3] =	stream.linear.scatter [tilespmem:s2], [sflag:$0x2], $0x6000, $0x38;
	[tilespmem:$0x18100] =	vst v63  }
0xf0: {  	_ =	swait.ge [sflag:s10], $0x6000  }
0xf1: {  	[sflag:s10] =	ssyncset.done $0x0  }
0xf2: {  	[sflag:s10] =	ssyncadd.s32 $0xFFFFA000  }
0xf3: {  	_ =	swait.ge [sflag:s15], $0x6000  }
0xf4: {  	[sflag:s15] =	ssyncset.done $0x0  }
0xf5: {  	[sflag:s15] =	ssyncadd.s32 $0xFFFFA000  }
0xf6: {  	v3 =	vld [tilespmem:$0xA0];
	_ =	sdelay $0x4  }
0xf7: {  	v58 =	vshrl.u32 v3, $0x3  }
0xf8: {  	v4 =	vmul.u32 $0x30, v58  }
0xf9: {  	v3 =	vand.u32 $0x7, v3  }
0xfa: {  	v3 =	vor.u32 v3, v4  }
0xfb: {  	v4 =	vperm.xlane v3, v0;
	_ =	sdelay $0x1  }
0xfc: {  	v4 =	vadd.s32 v1, v4;
	_ =	sdelay $0x3  }
0xfd: {  	v3 =	vperm.xlane v3, v2  }
0xfe: {  	[tilespmem:s11], [sflag:$0x1] =	stream.indirect_vreg.gather [hbm4b:s1+s3], $0x80, v4, vm0, $0xb8;
	[tilespmem:$0x18100] =	vst v63  }
0xff: {  	v3 =	vadd.s32 v1, v3  }
0x100: {  	[tilespmem:s31], [sflag:$0x1] =	stream.indirect_vreg.gather [hbm4b:s5+s3], $0x80, v4, vm0, $0xb8;
	[tilespmem:$0x18100] =	vst v63  }
0x101: {  	s17 =	simm.s32 $0x7100  }
0x102: {  	[tilespmem:s17], [sflag:$0x1] =	stream.indirect_vreg.gather [hbm4b:s6+s3], $0x80, v4, vm0, $0xb8;
	[tilespmem:$0x18100] =	vst v63  }
0x103: {  	s18 =	simm.s32 $0x7900  }
0x104: {  	[tilespmem:s18], [sflag:$0x1] =	stream.indirect_vreg.gather [hbm4b:s1+s3], $0x80, v3, vm0, $0xb8;
	[tilespmem:$0x18100] =	vst v63  }
0x105: {  	_ = 	snop  }
0x106: {  	[tilespmem:s12], [sflag:$0x1] =	stream.indirect_vreg.gather [hbm4b:s5+s3], $0x80, v3, vm0, $0xb8;
	[tilespmem:$0x18100] =	vst v63  }
0x107: {  	s16 =	simm.s32 $0x8900  }
0x108: {  	[tilespmem:s16], [sflag:$0x1] =	stream.indirect_vreg.gather [hbm4b:s6+s3], $0x80, v3, vm0, $0xb8;
	[tilespmem:$0x18100] =	vst v63  }
0x109: {  	v3 =	vld [tilespmem:$0xB0];
	_ =	sdelay $0x4  }
0x10a: {  	v59 =	vshrl.u32 v3, $0x3  }
0x10b: {  	v4 =	vmul.u32 $0x30, v59  }
0x10c: {  	v3 =	vand.u32 $0x7, v3  }
0x10d: {  	v3 =	vor.u32 v3, v4  }
0x10e: {  	v4 =	vperm.xlane v3, v0;
	_ =	sdelay $0x1  }
0x10f: {  	v4 =	vadd.s32 v1, v4;
	_ =	sdelay $0x3  }
0x110: {  	v3 =	vperm.xlane v3, v2  }
0x111: {  	[tilespmem:s13], [sflag:$0x1] =	stream.indirect_vreg.gather [hbm4b:s1+s3], $0x80, v4, vm0, $0xb8;
	[tilespmem:$0x18100] =	vst v63  }
0x112: {  	v3 =	vadd.s32 v1, v3  }
0x113: {  	[tilespmem:s14], [sflag:$0x1] =	stream.indirect_vreg.gather [hbm4b:s5+s3], $0x80, v4, vm0, $0xb8;
	[tilespmem:$0x18100] =	vst v63  }
0x114: {  	_ = 	snop  }
0x115: {  	[tilespmem:s8], [sflag:$0x1] =	stream.indirect_vreg.gather [hbm4b:s6+s3], $0x80, v4, vm0, $0xb8;
	[tilespmem:$0x18100] =	vst v63  }
0x116: {  	_ = 	snop  }
0x117: {  	[tilespmem:s9], [sflag:$0x1] =	stream.indirect_vreg.gather [hbm4b:s1+s3], $0x80, v3, vm0, $0xb8;
	[tilespmem:$0x18100] =	vst v63  }
0x118: {  	_ = 	snop  }
0x119: {  	[tilespmem:s24], [sflag:$0x1] =	stream.indirect_vreg.gather [hbm4b:s5+s3], $0x80, v3, vm0, $0xb8;
	[tilespmem:$0x18100] =	vst v63  }
0x11a: {  	s18 =	simm.s32 $0xB900  }
0x11b: {  	[tilespmem:s18], [sflag:$0x1] =	stream.indirect_vreg.gather [hbm4b:s6+s3], $0x80, v3, vm0, $0xb8;
	[tilespmem:$0x18100] =	vst v63  }
0x11c: {  	s17 =	rddreg [dreg:$0x7]  }
0x11d: {  	[hbm4b:s17+s3] =	stream.linear.scatter [tilespmem:s0], [sflag:$0x2], $0x6000, $0x38;
	[tilespmem:$0x18100] =	vst v63  }
0x11e: {  	_ =	swait.ge [sflag:s10], $0x6000  }
0x11f: {  	[sflag:s10] =	ssyncset.done $0x0  }
0x120: {  	[sflag:s10] =	ssyncadd.s32 $0xFFFFA000  }
0x121: {  	_ =	swait.ge [sflag:s15], $0x6000  }
0x122: {  	[sflag:s15] =	ssyncset.done $0x0  }
0x123: {  	[sflag:s15] =	ssyncadd.s32 $0xFFFFA000  }
0x124: {  	v3 =	vld [tilespmem:$0xC0];
	_ =	sdelay $0x4  }
0x125: {  	v60 =	vshrl.u32 v3, $0x3  }
0x126: {  	v4 =	vmul.u32 $0x30, v60  }
0x127: {  	v3 =	vand.u32 $0x7, v3  }
0x128: {  	v3 =	vor.u32 v3, v4  }
0x129: {  	v4 =	vperm.xlane v3, v0;
	_ =	sdelay $0x1  }
0x12a: {  	v4 =	vadd.s32 v1, v4;
	_ =	sdelay $0x3  }
0x12b: {  	v3 =	vperm.xlane v3, v2  }
0x12c: {  	[tilespmem:s2], [sflag:$0x1] =	stream.indirect_vreg.gather [hbm4b:s1+s3], $0x80, v4, vm0, $0xb8;
	[tilespmem:$0x18100] =	vst v63  }
0x12d: {  	s16 =	simm.s32 $0xC900;
	v3 =	vadd.s32 v1, v3  }
0x12e: {  	[tilespmem:s16], [sflag:$0x1] =	stream.indirect_vreg.gather [hbm4b:s5+s3], $0x80, v4, vm0, $0xb8;
	[tilespmem:$0x18100] =	vst v63  }
0x12f: {  	s17 =	simm.s32 $0xD100  }
0x130: {  	[tilespmem:s17], [sflag:$0x1] =	stream.indirect_vreg.gather [hbm4b:s6+s3], $0x80, v4, vm0, $0xb8;
	[tilespmem:$0x18100] =	vst v63  }
0x131: {  	s18 =	simm.s32 $0xD900  }
0x132: {  	[tilespmem:s18], [sflag:$0x1] =	stream.indirect_vreg.gather [hbm4b:s1+s3], $0x80, v3, vm0, $0xb8;
	[tilespmem:$0x18100] =	vst v63  }
0x133: {  	s16 =	simm.s32 $0xE100  }
0x134: {  	[tilespmem:s16], [sflag:$0x1] =	stream.indirect_vreg.gather [hbm4b:s5+s3], $0x80, v3, vm0, $0xb8;
	[tilespmem:$0x18100] =	vst v63  }
0x135: {  	s17 =	simm.s32 $0xE900  }
0x136: {  	[tilespmem:s17], [sflag:$0x1] =	stream.indirect_vreg.gather [hbm4b:s6+s3], $0x80, v3, vm0, $0xb8;
	[tilespmem:$0x18100] =	vst v63  }
0x137: {  	v3 =	vld [tilespmem:$0xD0];
	_ =	sdelay $0x4  }
0x138: {  	v61 =	vshrl.u32 v3, $0x3  }
0x139: {  	v4 =	vmul.u32 $0x30, v61  }
0x13a: {  	v3 =	vand.u32 $0x7, v3  }
0x13b: {  	v3 =	vor.u32 v3, v4  }
0x13c: {  	v4 =	vperm.xlane v3, v0;
	_ =	sdelay $0x1  }
0x13d: {  	v4 =	vadd.s32 v1, v4;
	_ =	sdelay $0x3  }
0x13e: {  	s18 =	simm.s32 $0xF100;
	v3 =	vperm.xlane v3, v2  }
0x13f: {  	[tilespmem:s18], [sflag:$0x1] =	stream.indirect_vreg.gather [hbm4b:s1+s3], $0x80, v4, vm0, $0xb8;
	[tilespmem:$0x18100] =	vst v63  }
0x140: {  	s16 =	simm.s32 $0xF900;
	v3 =	vadd.s32 v1, v3  }
0x141: {  	[tilespmem:s16], [sflag:$0x1] =	stream.indirect_vreg.gather [hbm4b:s5+s3], $0x80, v4, vm0, $0xb8;
	[tilespmem:$0x18100] =	vst v63  }
0x142: {  	s17 =	simm.s32 $0x10100  }
0x143: {  	[tilespmem:s17], [sflag:$0x1] =	stream.indirect_vreg.gather [hbm4b:s6+s3], $0x80, v4, vm0, $0xb8;
	[tilespmem:$0x18100] =	vst v63  }
0x144: {  	s18 =	simm.s32 $0x10900  }
0x145: {  	[tilespmem:s18], [sflag:$0x1] =	stream.indirect_vreg.gather [hbm4b:s1+s3], $0x80, v3, vm0, $0xb8;
	[tilespmem:$0x18100] =	vst v63  }
0x146: {  	s16 =	simm.s32 $0x11100  }
0x147: {  	[tilespmem:s16], [sflag:$0x1] =	stream.indirect_vreg.gather [hbm4b:s5+s3], $0x80, v3, vm0, $0xb8;
	[tilespmem:$0x18100] =	vst v63  }
0x148: {  	s18 =	simm.s32 $0x11900  }
0x149: {  	[tilespmem:s18], [sflag:$0x1] =	stream.indirect_vreg.gather [hbm4b:s6+s3], $0x80, v3, vm0, $0xb8;
	[tilespmem:$0x18100] =	vst v63  }
0x14a: {  	s17 =	rddreg [dreg:$0x8]  }
0x14b: {  	[hbm4b:s17+s3] =	stream.linear.scatter [tilespmem:s21], [sflag:$0x2], $0x6000, $0x38;
	[tilespmem:$0x18100] =	vst v63  }
0x14c: {  	_ =	swait.ge [sflag:s10], $0x6000  }
0x14d: {  	[sflag:s10] =	ssyncset.done $0x0  }
0x14e: {  	[sflag:s10] =	ssyncadd.s32 $0xFFFFA000  }
0x14f: {  	_ =	swait.ge [sflag:s15], $0x6000  }
0x150: {  	[sflag:s15] =	ssyncset.done $0x0  }
0x151: {  	[sflag:s15] =	ssyncadd.s32 $0xFFFFA000  }
0x152: {  	v3 =	vld [tilespmem:$0xE0];
	_ =	sdelay $0x4  }
0x153: {  	v62 =	vshrl.u32 v3, $0x3  }
0x154: {  	v4 =	vmul.u32 $0x30, v62  }
0x155: {  	v3 =	vand.u32 $0x7, v3  }
0x156: {  	v3 =	vor.u32 v3, v4  }
0x157: {  	v4 =	vperm.xlane v3, v0;
	_ =	sdelay $0x1  }
0x158: {  	v4 =	vadd.s32 v1, v4;
	_ =	sdelay $0x3  }
0x159: {  	v3 =	vperm.xlane v3, v2  }
0x15a: {  	[tilespmem:s0], [sflag:$0x1] =	stream.indirect_vreg.gather [hbm4b:s1+s3], $0x80, v4, vm0, $0xb8;
	[tilespmem:$0x18100] =	vst v63  }
0x15b: {  	s16 =	simm.s32 $0x12900;
	v3 =	vadd.s32 v1, v3  }
0x15c: {  	[tilespmem:s16], [sflag:$0x1] =	stream.indirect_vreg.gather [hbm4b:s5+s3], $0x80, v4, vm0, $0xb8;
	[tilespmem:$0x18100] =	vst v63  }
0x15d: {  	s17 =	simm.s32 $0x13100  }
0x15e: {  	[tilespmem:s17], [sflag:$0x1] =	stream.indirect_vreg.gather [hbm4b:s6+s3], $0x80, v4, vm0, $0xb8;
	[tilespmem:$0x18100] =	vst v63  }
0x15f: {  	s18 =	simm.s32 $0x13900  }
0x160: {  	[tilespmem:s18], [sflag:$0x1] =	stream.indirect_vreg.gather [hbm4b:s1+s3], $0x80, v3, vm0, $0xb8;
	[tilespmem:$0x18100] =	vst v63  }
0x161: {  	s16 =	simm.s32 $0x14100  }
0x162: {  	[tilespmem:s16], [sflag:$0x1] =	stream.indirect_vreg.gather [hbm4b:s5+s3], $0x80, v3, vm0, $0xb8;
	[tilespmem:$0x18100] =	vst v63  }
0x163: {  	s17 =	simm.s32 $0x14900  }
0x164: {  	[tilespmem:s17], [sflag:$0x1] =	stream.indirect_vreg.gather [hbm4b:s6+s3], $0x80, v3, vm0, $0xb8;
	[tilespmem:$0x18100] =	vst v63  }
0x165: {  	v3 =	vld [tilespmem:$0xF0];
	_ =	sdelay $0x4  }
0x166: {  	v63 =	vshrl.u32 v3, $0x3  }
0x167: {  	v4 =	vmul.u32 $0x30, v63  }
0x168: {  	v3 =	vand.u32 $0x7, v3  }
0x169: {  	v3 =	vor.u32 v3, v4  }
0x16a: {  	v4 =	vperm.xlane v3, v0;
	_ =	sdelay $0x1  }
0x16b: {  	v4 =	vadd.s32 v1, v4;
	_ =	sdelay $0x3  }
0x16c: {  	s18 =	simm.s32 $0x15100;
	v3 =	vperm.xlane v3, v2  }
0x16d: {  	[tilespmem:s18], [sflag:$0x1] =	stream.indirect_vreg.gather [hbm4b:s1+s3], $0x80, v4, vm0, $0xb8;
	[tilespmem:$0x18100] =	vst v63  }
0x16e: {  	s16 =	simm.s32 $0x15900;
	v3 =	vadd.s32 v1, v3  }
0x16f: {  	[tilespmem:s16], [sflag:$0x1] =	stream.indirect_vreg.gather [hbm4b:s5+s3], $0x80, v4, vm0, $0xb8;
	[tilespmem:$0x18100] =	vst v63  }
0x170: {  	s17 =	simm.s32 $0x16100  }
0x171: {  	[tilespmem:s17], [sflag:$0x1] =	stream.indirect_vreg.gather [hbm4b:s6+s3], $0x80, v4, vm0, $0xb8;
	[tilespmem:$0x18100] =	vst v63  }
0x172: {  	s18 =	simm.s32 $0x16900  }
0x173: {  	[tilespmem:s18], [sflag:$0x1] =	stream.indirect_vreg.gather [hbm4b:s1+s3], $0x80, v3, vm0, $0xb8;
	[tilespmem:$0x18100] =	vst v63  }
0x174: {  	s16 =	simm.s32 $0x17100  }
0x175: {  	[tilespmem:s16], [sflag:$0x1] =	stream.indirect_vreg.gather [hbm4b:s5+s3], $0x80, v3, vm0, $0xb8;
	[tilespmem:$0x18100] =	vst v63  }
0x176: {  	s18 =	simm.s32 $0x17900  }
0x177: {  	[tilespmem:s18], [sflag:$0x1] =	stream.indirect_vreg.gather [hbm4b:s6+s3], $0x80, v3, vm0, $0xb8;
	[tilespmem:$0x18100] =	vst v63  }
0x178: {  	s17 =	rddreg [dreg:$0x9]  }
0x179: {  	[hbm4b:s17+s3] =	stream.linear.scatter [tilespmem:s11], [sflag:$0x2], $0x6000, $0x38;
	[tilespmem:$0x18100] =	vst v63  }
0x17a: {  	_ =	swait.ge [sflag:s10], $0x6000  }
0x17b: {  	[sflag:s10] =	ssyncset.done $0x0  }
0x17c: {  	s17 =	rddreg [dreg:$0xa];
	[sflag:s10] =	ssyncadd.s32 $0xFFFFA000  }
0x17d: {  	[hbm4b:s17+s3] =	stream.linear.scatter [tilespmem:s2], [sflag:$0x2], $0x6000, $0x38;
	[tilespmem:$0x18100] =	vst v63  }
0x17e: {  	_ =	swait.ge [sflag:s10], $0x6000  }
0x17f: {  	[sflag:s10] =	ssyncset.done $0x0  }
0x180: {  	s18 =	rddreg [dreg:$0xb];
	[sflag:s10] =	ssyncadd.s32 $0xFFFFA000  }
0x181: {  	[hbm4b:s18+s3] =	stream.linear.scatter [tilespmem:s0], [sflag:$0x2], $0x6000, $0x38;
	[tilespmem:$0x18100] =	vst v63  }
0x182: {  	_ =	swait.ge [sflag:s15], $0x6000  }
0x183: {  	[sflag:s15] =	ssyncset.done $0x0  }
0x184: {  	[sflag:s15] =	ssyncadd.s32 $0xFFFFA000  }
0x185: {  	_ =	swait.ge [sflag:s15], $0x6000  }
0x186: {  	[sflag:s15] =	ssyncset.done $0x0  }
0x187: {  	[sflag:s15] =	ssyncadd.s32 $0xFFFFA000  }
0x188: {  	p0 =	sne.s32 s7, $0x1;
	_ =	swait.ge [sflag:s15], $0x6000  }
.Ltmp0:
0x189: {  	[sflag:s15] =	ssyncset.done $0x0;
	(pc) =	sbr.rel @p0 .LBB2_1-.Ltmp0, $4  }
0x18a: {  	[sflag:s15] =	ssyncadd.s32 $0xFFFFA000  }
0x18b: {  	_ =	swait.ge [sflag:s15], $0x6000  }
0x18c: {  	[sflag:s15] =	ssyncset.done $0x0  }
0x18d: {  	s7 =	sadd.s32 $0xFFFFFFFF, s7;
	[sflag:s15] =	ssyncadd.s32 $0xFFFFA000  }
0x18e: {  	_ =	sfence.sel $0x180000  }
0x18f: {  	[bflag:$0x0] =	sbarrier.arrive $0xFFFF  }
0x190: {  	_ =	strace $0x90000047  }
0x191: {  	s0 =	stileid.u32;
	[bflag:$0x2] =	sbarrier.arrive $0xFFFF  }
0x192: {  	p0 =	sne.s32 s0, $0x0;
	s0 =	rddreg [dreg:$0x3]  }
0x193: {  	s0 =	sadd.s32 @!p0 $0x100000, s0  }
0x194: {  	[sflag:s0] =	ssyncadd.tile.s32 @!p0 $0x1;
	_ =	shalt  }
.Lfunc_end2:
_tile_overlayer_lowered:
.L_overlay_start_2:
0x195: {  	(tag) =	ssettag $0x2  }
0x196: {  	s0 =	rddreg [dreg:$0x0];
	s2 =	stileid.u32  }
0x197: {  	s1 =	rddreg [dreg:$0x1];
	p0 =	sne.s32 s2, $0x0  }
0x198: {  	s3 =	rddreg [dreg:$0x2];
	[bflag:$0x3] =	sbarrier.arrive $0xFFFF;
	s2 =	simm.s32 @!p0 $0x1C03  }
0x199: {  	[timem:s3], [sflag:s2] =	dma.local @!p0 [hbm:s0], s1  }
0x19a: {  	s0 =	simm.s32 @!p0 $0x3  }
0x19b: {  	_ =	swait.ge @!p0 [sflag:s0], s1  }
0x19c: {  	s1 =	ssub.s32 @!p0 $0x0, s1;
	[sflag:s0] =	ssyncset.done @!p0 $0x0  }
0x19d: {  	[sflag:s0] =	ssyncadd.s32 @!p0 s1  }
0x19e: {  	[bflag:$0x3] =	sbarrier.arrive $0xFFFF  }
0x19f: {  	_ =	shalt  }

</sc_bundles>
